<compile_context>
chip_gen: v7x
topology: tpu7x:2x2x1
jax: 0.10.2.dev20260603
libtpu: 0.0.44.dev20260713+nightly
codegen_flags: <defaults>
</compile_context>

<pallas_src>
import functools

import jax
import jax.numpy as jnp
from jax import lax
from jax.experimental import pallas as pl
from jax.experimental.pallas import tpu as pltpu
from jax.experimental.pallas import tpu_sc as plsc

_ALPHA = 4
_HPARTS = 2
_NBUF = 3


def _fast_copy_sc(frames3, n_rows, h, w):
    info = plsc.get_sparse_core_info()
    nc, ns = info.num_cores, info.num_subcores
    nw = nc * ns
    rpw = n_rows // nw
    nch = rpw * _HPARTS
    hh = h // _HPARTS
    mesh = plsc.VectorSubcoreMesh(core_axis_name="c", subcore_axis_name="s")

    @functools.partial(
        pl.kernel,
        mesh=mesh,
        out_type=jax.ShapeDtypeStruct((n_rows, h, w), jnp.float32),
        scratch_types=[
            [pltpu.VMEM((hh, w), jnp.float32) for _ in range(_NBUF)],
            [pltpu.SemaphoreType.DMA for _ in range(_NBUF)],
        ],
    )
    def body(frames_hbm, fast_hbm, bufs, rsems):
        wid = lax.axis_index("s") * nc + lax.axis_index("c")
        base = wid * rpw
        reads = [None] * nch

        def start_read(i):
            r = base + i // _HPARTS
            hp = (i % _HPARTS) * hh
            return pltpu.async_copy(
                frames_hbm.at[r, pl.ds(hp, hh), :], bufs[i % _NBUF],
                rsems[i % _NBUF])

        for i in range(_NBUF):
            reads[i] = start_read(i)
        for i in range(nch):
            r = base + i // _HPARTS
            hp = (i % _HPARTS) * hh
            reads[i].wait()
            pltpu.sync_copy(bufs[i % _NBUF], fast_hbm.at[r, pl.ds(hp, hh), :])
            if i + _NBUF < nch:
                reads[i + _NBUF] = start_read(i + _NBUF)

    return body(frames3)


def _slow_gather_tc(frames, ch, t_len, n_sel, h, w):
    def body(in_ref, out_ref):
        out_ref[...] = in_ref[...]

    return pl.pallas_call(
        body,
        grid=(n_sel,),
        in_specs=[pl.BlockSpec(
            (ch, 1, h, w),
            lambda s: (0, (s * (t_len - 1)) // (n_sel - 1), 0, 0))],
        out_specs=pl.BlockSpec((ch, 1, h, w), lambda s: (0, s, 0, 0)),
        out_shape=jax.ShapeDtypeStruct((ch, n_sel, h, w), jnp.float32),
    )(frames)


def kernel(frames):
    ch, t_len, h, w = frames.shape
    n_sel = t_len // _ALPHA
    frames3 = frames.reshape(ch * t_len, h, w)
    fast3 = _fast_copy_sc(frames3, ch * t_len, h, w)
    slow = _slow_gather_tc(frames, ch, t_len, n_sel, h, w)
    return (slow, fast3.reshape(ch, t_len, h, w))

# --- scband reference (transcript-rebuilt; emitter-appended) ---
"""Pipeline reference for scband-pack-pathway-29635274342737 (READ-ONLY COPY).

The authoritative reference and input builder live on the scoring server;
editing this copy changes nothing except your own understanding.
"""

import jax, jax.numpy as jnp
import numpy as np

ALPHA = 4

def setup_inputs(seed: int = 0) -> dict:
    key = jax.random.key(seed)
    frames = jax.random.normal(key, (3, 64, 256, 256), dtype=jnp.float32)
    return {"frames": frames}

def reference(frames):
    T = frames.shape[1]
    idx = jnp.linspace(0, T - 1, T // ALPHA).astype(jnp.int32)
    slow_pathway = jnp.take(frames, idx, axis=1)
    fast_pathway = frames
    return (slow_pathway, fast_pathway)

if __name__ == "__main__":
    import jax
    _d = setup_inputs()
    print(jax.jit(kernel)(*tuple(_d.values())))

</pallas_src>

<mosaic_0001>
#map = affine_map<(d0, d1) -> (0, 0, 0)>
module attributes {stable_mosaic.version = 14 : i64} {
  func.func @body(%arg0: i32, %arg1: i32, %arg2: memref<192x256x256xf32, #tpu.memory_space<hbm>>, %arg3: memref<192x256x256xf32, #tpu.memory_space<hbm>>, %arg4: memref<128x256xf32, #tpu.memory_space<vmem>>, %arg5: memref<128x256xf32, #tpu.memory_space<vmem>>, %arg6: memref<128x256xf32, #tpu.memory_space<vmem>>, %arg7: memref<!tpu.dma_semaphore, #tpu.memory_space<semaphore_mem>>, %arg8: memref<!tpu.dma_semaphore, #tpu.memory_space<semaphore_mem>>, %arg9: memref<!tpu.dma_semaphore, #tpu.memory_space<semaphore_mem>>) attributes {dimension_semantics = [#tpu.dimension_semantics<core_parallel>, #tpu.dimension_semantics<subcore_parallel>], iteration_bounds = array<i64: 2, 16>, scalar_prefetch = 0 : i64, scratch_operands = 6 : i64, tpu.core_type = #tpu.core_type<sc_vector_subcore>, window_params = [{transform_indices = #map}, {transform_indices = #map}]} {
    %mul3A = arith.constant 2 : i32
    %mul3A_0 = arith.muli %arg1, %mul3A : i32
    %add3A = arith.addi %mul3A_0, %arg0 : i32
    %mul3A_1 = arith.constant 6 : i32
    %mul3A_2 = arith.muli %add3A, %mul3A_1 : i32
    %add3A_3 = arith.constant 0 : i32
    %add3A_4 = arith.addi %mul3A_2, %add3A_3 : i32
    %dma_start3A = arith.constant 0 : i32
    %dma_start3A_5 = arith.constant 0 : i32
    %dma_start3A_6 = tpu.memref_slice %arg2[%add3A_4, %dma_start3A, %dma_start3A_5] : memref<192x256x256xf32, #tpu.memory_space<hbm>> -> memref<1x128x256xf32, #tpu.memory_space<hbm>>
    %dma_start3A_7 = tpu.memref_squeeze %dma_start3A_6 : memref<1x128x256xf32, #tpu.memory_space<hbm>> -> memref<128x256xf32, #tpu.memory_space<hbm>>
    %dma_start3A_8 = arith.constant 0 : i32
    %dma_start3A_9 = arith.constant 0 : i32
    %dma_start3A_10 = tpu.memref_slice %arg2[%add3A_4, %dma_start3A_8, %dma_start3A_9] : memref<192x256x256xf32, #tpu.memory_space<hbm>> -> memref<1x128x256xf32, #tpu.memory_space<hbm>>
    %dma_start3A_11 = tpu.memref_squeeze %dma_start3A_10 : memref<1x128x256xf32, #tpu.memory_space<hbm>> -> memref<128x256xf32, #tpu.memory_space<hbm>>
    tpu.enqueue_dma source(%dma_start3A_11 : memref<128x256xf32, #tpu.memory_space<hbm>>) target(%arg4 : memref<128x256xf32, #tpu.memory_space<vmem>>) target_semaphore(%arg7 : memref<!tpu.dma_semaphore, #tpu.memory_space<semaphore_mem>>)
    %add3A_12 = arith.constant 0 : i32
    %add3A_13 = arith.addi %mul3A_2, %add3A_12 : i32
    %dma_start3A_14 = arith.constant 128 : i32
    %dma_start3A_15 = arith.constant 0 : i32
    %dma_start3A_16 = tpu.memref_slice %arg2[%add3A_13, %dma_start3A_14, %dma_start3A_15] : memref<192x256x256xf32, #tpu.memory_space<hbm>> -> memref<1x128x256xf32, #tpu.memory_space<hbm>>
    %dma_start3A_17 = tpu.memref_squeeze %dma_start3A_16 : memref<1x128x256xf32, #tpu.memory_space<hbm>> -> memref<128x256xf32, #tpu.memory_space<hbm>>
    %dma_start3A_18 = arith.constant 128 : i32
    %dma_start3A_19 = arith.constant 0 : i32
    %dma_start3A_20 = tpu.memref_slice %arg2[%add3A_13, %dma_start3A_18, %dma_start3A_19] : memref<192x256x256xf32, #tpu.memory_space<hbm>> -> memref<1x128x256xf32, #tpu.memory_space<hbm>>
    %dma_start3A_21 = tpu.memref_squeeze %dma_start3A_20 : memref<1x128x256xf32, #tpu.memory_space<hbm>> -> memref<128x256xf32, #tpu.memory_space<hbm>>
    tpu.enqueue_dma source(%dma_start3A_21 : memref<128x256xf32, #tpu.memory_space<hbm>>) target(%arg5 : memref<128x256xf32, #tpu.memory_space<vmem>>) target_semaphore(%arg8 : memref<!tpu.dma_semaphore, #tpu.memory_space<semaphore_mem>>)
    %add3A_22 = arith.constant 1 : i32
    %add3A_23 = arith.addi %mul3A_2, %add3A_22 : i32
    %dma_start3A_24 = arith.constant 0 : i32
    %dma_start3A_25 = arith.constant 0 : i32
    %dma_start3A_26 = tpu.memref_slice %arg2[%add3A_23, %dma_start3A_24, %dma_start3A_25] : memref<192x256x256xf32, #tpu.memory_space<hbm>> -> memref<1x128x256xf32, #tpu.memory_space<hbm>>
    %dma_start3A_27 = tpu.memref_squeeze %dma_start3A_26 : memref<1x128x256xf32, #tpu.memory_space<hbm>> -> memref<128x256xf32, #tpu.memory_space<hbm>>
    %dma_start3A_28 = arith.constant 0 : i32
    %dma_start3A_29 = arith.constant 0 : i32
    %dma_start3A_30 = tpu.memref_slice %arg2[%add3A_23, %dma_start3A_28, %dma_start3A_29] : memref<192x256x256xf32, #tpu.memory_space<hbm>> -> memref<1x128x256xf32, #tpu.memory_space<hbm>>
    %dma_start3A_31 = tpu.memref_squeeze %dma_start3A_30 : memref<1x128x256xf32, #tpu.memory_space<hbm>> -> memref<128x256xf32, #tpu.memory_space<hbm>>
    tpu.enqueue_dma source(%dma_start3A_31 : memref<128x256xf32, #tpu.memory_space<hbm>>) target(%arg6 : memref<128x256xf32, #tpu.memory_space<vmem>>) target_semaphore(%arg9 : memref<!tpu.dma_semaphore, #tpu.memory_space<semaphore_mem>>)
    %add3A_32 = arith.constant 0 : i32
    %add3A_33 = arith.addi %mul3A_2, %add3A_32 : i32
    %dma_wait3A = arith.constant 0 : i32
    %dma_wait3A_34 = arith.constant 0 : i32
    %dma_wait3A_35 = tpu.memref_slice %arg2[%add3A_4, %dma_wait3A, %dma_wait3A_34] : memref<192x256x256xf32, #tpu.memory_space<hbm>> -> memref<1x128x256xf32, #tpu.memory_space<hbm>>
    %dma_wait3A_36 = tpu.memref_squeeze %dma_wait3A_35 : memref<1x128x256xf32, #tpu.memory_space<hbm>> -> memref<128x256xf32, #tpu.memory_space<hbm>>
    %dma_wait3A_37 = arith.constant 0 : i32
    %dma_wait3A_38 = arith.constant 0 : i32
    %dma_wait3A_39 = tpu.memref_slice %arg2[%add3A_4, %dma_wait3A_37, %dma_wait3A_38] : memref<192x256x256xf32, #tpu.memory_space<hbm>> -> memref<1x128x256xf32, #tpu.memory_space<hbm>>
    %dma_wait3A_40 = tpu.memref_squeeze %dma_wait3A_39 : memref<1x128x256xf32, #tpu.memory_space<hbm>> -> memref<128x256xf32, #tpu.memory_space<hbm>>
    tpu.wait_dma2 semaphore(%arg7 : memref<!tpu.dma_semaphore, #tpu.memory_space<semaphore_mem>>) src(%dma_wait3A_40 : memref<128x256xf32, #tpu.memory_space<hbm>>) dst(%arg4 : memref<128x256xf32, #tpu.memory_space<vmem>>)
    "tpu.region"() ({
      %run_scoped3A = tpu.sem_alloc : memref<!tpu.dma_semaphore, #tpu.memory_space<semaphore_mem>>
      %dma_start3A_241 = arith.constant 0 : i32
      %dma_start3A_242 = arith.constant 0 : i32
      %dma_start3A_243 = tpu.memref_slice %arg3[%add3A_33, %dma_start3A_241, %dma_start3A_242] : memref<192x256x256xf32, #tpu.memory_space<hbm>> -> memref<1x128x256xf32, #tpu.memory_space<hbm>>
      %dma_start3A_244 = tpu.memref_squeeze %dma_start3A_243 : memref<1x128x256xf32, #tpu.memory_space<hbm>> -> memref<128x256xf32, #tpu.memory_space<hbm>>
      %dma_start3A_245 = arith.constant 0 : i32
      %dma_start3A_246 = arith.constant 0 : i32
      %dma_start3A_247 = tpu.memref_slice %arg3[%add3A_33, %dma_start3A_245, %dma_start3A_246] : memref<192x256x256xf32, #tpu.memory_space<hbm>> -> memref<1x128x256xf32, #tpu.memory_space<hbm>>
      %dma_start3A_248 = tpu.memref_squeeze %dma_start3A_247 : memref<1x128x256xf32, #tpu.memory_space<hbm>> -> memref<128x256xf32, #tpu.memory_space<hbm>>
      tpu.enqueue_dma source(%arg4 : memref<128x256xf32, #tpu.memory_space<vmem>>) target(%dma_start3A_248 : memref<128x256xf32, #tpu.memory_space<hbm>>) target_semaphore(%run_scoped3A : memref<!tpu.dma_semaphore, #tpu.memory_space<semaphore_mem>>)
      %dma_wait3A_249 = arith.constant 0 : i32
      %dma_wait3A_250 = arith.constant 0 : i32
      %dma_wait3A_251 = tpu.memref_slice %arg3[%add3A_33, %dma_wait3A_249, %dma_wait3A_250] : memref<192x256x256xf32, #tpu.memory_space<hbm>> -> memref<1x128x256xf32, #tpu.memory_space<hbm>>
      %dma_wait3A_252 = tpu.memref_squeeze %dma_wait3A_251 : memref<1x128x256xf32, #tpu.memory_space<hbm>> -> memref<128x256xf32, #tpu.memory_space<hbm>>
      %dma_wait3A_253 = arith.constant 0 : i32
      %dma_wait3A_254 = arith.constant 0 : i32
      %dma_wait3A_255 = tpu.memref_slice %arg3[%add3A_33, %dma_wait3A_253, %dma_wait3A_254] : memref<192x256x256xf32, #tpu.memory_space<hbm>> -> memref<1x128x256xf32, #tpu.memory_space<hbm>>
      %dma_wait3A_256 = tpu.memref_squeeze %dma_wait3A_255 : memref<1x128x256xf32, #tpu.memory_space<hbm>> -> memref<128x256xf32, #tpu.memory_space<hbm>>
      tpu.wait_dma2 semaphore(%run_scoped3A : memref<!tpu.dma_semaphore, #tpu.memory_space<semaphore_mem>>) src(%arg4 : memref<128x256xf32, #tpu.memory_space<vmem>>) dst(%dma_wait3A_256 : memref<128x256xf32, #tpu.memory_space<hbm>>)
      tpu.yield
    }) : () -> ()
    %add3A_41 = arith.constant 1 : i32
    %add3A_42 = arith.addi %mul3A_2, %add3A_41 : i32
    %dma_start3A_43 = arith.constant 128 : i32
    %dma_start3A_44 = arith.constant 0 : i32
    %dma_start3A_45 = tpu.memref_slice %arg2[%add3A_42, %dma_start3A_43, %dma_start3A_44] : memref<192x256x256xf32, #tpu.memory_space<hbm>> -> memref<1x128x256xf32, #tpu.memory_space<hbm>>
    %dma_start3A_46 = tpu.memref_squeeze %dma_start3A_45 : memref<1x128x256xf32, #tpu.memory_space<hbm>> -> memref<128x256xf32, #tpu.memory_space<hbm>>
    %dma_start3A_47 = arith.constant 128 : i32
    %dma_start3A_48 = arith.constant 0 : i32
    %dma_start3A_49 = tpu.memref_slice %arg2[%add3A_42, %dma_start3A_47, %dma_start3A_48] : memref<192x256x256xf32, #tpu.memory_space<hbm>> -> memref<1x128x256xf32, #tpu.memory_space<hbm>>
    %dma_start3A_50 = tpu.memref_squeeze %dma_start3A_49 : memref<1x128x256xf32, #tpu.memory_space<hbm>> -> memref<128x256xf32, #tpu.memory_space<hbm>>
    tpu.enqueue_dma source(%dma_start3A_50 : memref<128x256xf32, #tpu.memory_space<hbm>>) target(%arg4 : memref<128x256xf32, #tpu.memory_space<vmem>>) target_semaphore(%arg7 : memref<!tpu.dma_semaphore, #tpu.memory_space<semaphore_mem>>)
    %add3A_51 = arith.constant 0 : i32
    %add3A_52 = arith.addi %mul3A_2, %add3A_51 : i32
    %dma_wait3A_53 = arith.constant 128 : i32
    %dma_wait3A_54 = arith.constant 0 : i32
    %dma_wait3A_55 = tpu.memref_slice %arg2[%add3A_13, %dma_wait3A_53, %dma_wait3A_54] : memref<192x256x256xf32, #tpu.memory_space<hbm>> -> memref<1x128x256xf32, #tpu.memory_space<hbm>>
    %dma_wait3A_56 = tpu.memref_squeeze %dma_wait3A_55 : memref<1x128x256xf32, #tpu.memory_space<hbm>> -> memref<128x256xf32, #tpu.memory_space<hbm>>
    %dma_wait3A_57 = arith.constant 128 : i32
    %dma_wait3A_58 = arith.constant 0 : i32
    %dma_wait3A_59 = tpu.memref_slice %arg2[%add3A_13, %dma_wait3A_57, %dma_wait3A_58] : memref<192x256x256xf32, #tpu.memory_space<hbm>> -> memref<1x128x256xf32, #tpu.memory_space<hbm>>
    %dma_wait3A_60 = tpu.memref_squeeze %dma_wait3A_59 : memref<1x128x256xf32, #tpu.memory_space<hbm>> -> memref<128x256xf32, #tpu.memory_space<hbm>>
    tpu.wait_dma2 semaphore(%arg8 : memref<!tpu.dma_semaphore, #tpu.memory_space<semaphore_mem>>) src(%dma_wait3A_60 : memref<128x256xf32, #tpu.memory_space<hbm>>) dst(%arg5 : memref<128x256xf32, #tpu.memory_space<vmem>>)
    "tpu.region"() ({
      %run_scoped3A = tpu.sem_alloc : memref<!tpu.dma_semaphore, #tpu.memory_space<semaphore_mem>>
      %dma_start3A_241 = arith.constant 128 : i32
      %dma_start3A_242 = arith.constant 0 : i32
      %dma_start3A_243 = tpu.memref_slice %arg3[%add3A_52, %dma_start3A_241, %dma_start3A_242] : memref<192x256x256xf32, #tpu.memory_space<hbm>> -> memref<1x128x256xf32, #tpu.memory_space<hbm>>
      %dma_start3A_244 = tpu.memref_squeeze %dma_start3A_243 : memref<1x128x256xf32, #tpu.memory_space<hbm>> -> memref<128x256xf32, #tpu.memory_space<hbm>>
      %dma_start3A_245 = arith.constant 128 : i32
      %dma_start3A_246 = arith.constant 0 : i32
      %dma_start3A_247 = tpu.memref_slice %arg3[%add3A_52, %dma_start3A_245, %dma_start3A_246] : memref<192x256x256xf32, #tpu.memory_space<hbm>> -> memref<1x128x256xf32, #tpu.memory_space<hbm>>
      %dma_start3A_248 = tpu.memref_squeeze %dma_start3A_247 : memref<1x128x256xf32, #tpu.memory_space<hbm>> -> memref<128x256xf32, #tpu.memory_space<hbm>>
      tpu.enqueue_dma source(%arg5 : memref<128x256xf32, #tpu.memory_space<vmem>>) target(%dma_start3A_248 : memref<128x256xf32, #tpu.memory_space<hbm>>) target_semaphore(%run_scoped3A : memref<!tpu.dma_semaphore, #tpu.memory_space<semaphore_mem>>)
      %dma_wait3A_249 = arith.constant 128 : i32
      %dma_wait3A_250 = arith.constant 0 : i32
      %dma_wait3A_251 = tpu.memref_slice %arg3[%add3A_52, %dma_wait3A_249, %dma_wait3A_250] : memref<192x256x256xf32, #tpu.memory_space<hbm>> -> memref<1x128x256xf32, #tpu.memory_space<hbm>>
      %dma_wait3A_252 = tpu.memref_squeeze %dma_wait3A_251 : memref<1x128x256xf32, #tpu.memory_space<hbm>> -> memref<128x256xf32, #tpu.memory_space<hbm>>
      %dma_wait3A_253 = arith.constant 128 : i32
      %dma_wait3A_254 = arith.constant 0 : i32
      %dma_wait3A_255 = tpu.memref_slice %arg3[%add3A_52, %dma_wait3A_253, %dma_wait3A_254] : memref<192x256x256xf32, #tpu.memory_space<hbm>> -> memref<1x128x256xf32, #tpu.memory_space<hbm>>
      %dma_wait3A_256 = tpu.memref_squeeze %dma_wait3A_255 : memref<1x128x256xf32, #tpu.memory_space<hbm>> -> memref<128x256xf32, #tpu.memory_space<hbm>>
      tpu.wait_dma2 semaphore(%run_scoped3A : memref<!tpu.dma_semaphore, #tpu.memory_space<semaphore_mem>>) src(%arg5 : memref<128x256xf32, #tpu.memory_space<vmem>>) dst(%dma_wait3A_256 : memref<128x256xf32, #tpu.memory_space<hbm>>)
      tpu.yield
    }) : () -> ()
    %add3A_61 = arith.constant 2 : i32
    %add3A_62 = arith.addi %mul3A_2, %add3A_61 : i32
    %dma_start3A_63 = arith.constant 0 : i32
    %dma_start3A_64 = arith.constant 0 : i32
    %dma_start3A_65 = tpu.memref_slice %arg2[%add3A_62, %dma_start3A_63, %dma_start3A_64] : memref<192x256x256xf32, #tpu.memory_space<hbm>> -> memref<1x128x256xf32, #tpu.memory_space<hbm>>
    %dma_start3A_66 = tpu.memref_squeeze %dma_start3A_65 : memref<1x128x256xf32, #tpu.memory_space<hbm>> -> memref<128x256xf32, #tpu.memory_space<hbm>>
    %dma_start3A_67 = arith.constant 0 : i32
    %dma_start3A_68 = arith.constant 0 : i32
    %dma_start3A_69 = tpu.memref_slice %arg2[%add3A_62, %dma_start3A_67, %dma_start3A_68] : memref<192x256x256xf32, #tpu.memory_space<hbm>> -> memref<1x128x256xf32, #tpu.memory_space<hbm>>
    %dma_start3A_70 = tpu.memref_squeeze %dma_start3A_69 : memref<1x128x256xf32, #tpu.memory_space<hbm>> -> memref<128x256xf32, #tpu.memory_space<hbm>>
    tpu.enqueue_dma source(%dma_start3A_70 : memref<128x256xf32, #tpu.memory_space<hbm>>) target(%arg5 : memref<128x256xf32, #tpu.memory_space<vmem>>) target_semaphore(%arg8 : memref<!tpu.dma_semaphore, #tpu.memory_space<semaphore_mem>>)
    %add3A_71 = arith.constant 1 : i32
    %add3A_72 = arith.addi %mul3A_2, %add3A_71 : i32
    %dma_wait3A_73 = arith.constant 0 : i32
    %dma_wait3A_74 = arith.constant 0 : i32
    %dma_wait3A_75 = tpu.memref_slice %arg2[%add3A_23, %dma_wait3A_73, %dma_wait3A_74] : memref<192x256x256xf32, #tpu.memory_space<hbm>> -> memref<1x128x256xf32, #tpu.memory_space<hbm>>
    %dma_wait3A_76 = tpu.memref_squeeze %dma_wait3A_75 : memref<1x128x256xf32, #tpu.memory_space<hbm>> -> memref<128x256xf32, #tpu.memory_space<hbm>>
    %dma_wait3A_77 = arith.constant 0 : i32
    %dma_wait3A_78 = arith.constant 0 : i32
    %dma_wait3A_79 = tpu.memref_slice %arg2[%add3A_23, %dma_wait3A_77, %dma_wait3A_78] : memref<192x256x256xf32, #tpu.memory_space<hbm>> -> memref<1x128x256xf32, #tpu.memory_space<hbm>>
    %dma_wait3A_80 = tpu.memref_squeeze %dma_wait3A_79 : memref<1x128x256xf32, #tpu.memory_space<hbm>> -> memref<128x256xf32, #tpu.memory_space<hbm>>
    tpu.wait_dma2 semaphore(%arg9 : memref<!tpu.dma_semaphore, #tpu.memory_space<semaphore_mem>>) src(%dma_wait3A_80 : memref<128x256xf32, #tpu.memory_space<hbm>>) dst(%arg6 : memref<128x256xf32, #tpu.memory_space<vmem>>)
    "tpu.region"() ({
      %run_scoped3A = tpu.sem_alloc : memref<!tpu.dma_semaphore, #tpu.memory_space<semaphore_mem>>
      %dma_start3A_241 = arith.constant 0 : i32
      %dma_start3A_242 = arith.constant 0 : i32
      %dma_start3A_243 = tpu.memref_slice %arg3[%add3A_72, %dma_start3A_241, %dma_start3A_242] : memref<192x256x256xf32, #tpu.memory_space<hbm>> -> memref<1x128x256xf32, #tpu.memory_space<hbm>>
      %dma_start3A_244 = tpu.memref_squeeze %dma_start3A_243 : memref<1x128x256xf32, #tpu.memory_space<hbm>> -> memref<128x256xf32, #tpu.memory_space<hbm>>
      %dma_start3A_245 = arith.constant 0 : i32
      %dma_start3A_246 = arith.constant 0 : i32
      %dma_start3A_247 = tpu.memref_slice %arg3[%add3A_72, %dma_start3A_245, %dma_start3A_246] : memref<192x256x256xf32, #tpu.memory_space<hbm>> -> memref<1x128x256xf32, #tpu.memory_space<hbm>>
      %dma_start3A_248 = tpu.memref_squeeze %dma_start3A_247 : memref<1x128x256xf32, #tpu.memory_space<hbm>> -> memref<128x256xf32, #tpu.memory_space<hbm>>
      tpu.enqueue_dma source(%arg6 : memref<128x256xf32, #tpu.memory_space<vmem>>) target(%dma_start3A_248 : memref<128x256xf32, #tpu.memory_space<hbm>>) target_semaphore(%run_scoped3A : memref<!tpu.dma_semaphore, #tpu.memory_space<semaphore_mem>>)
      %dma_wait3A_249 = arith.constant 0 : i32
      %dma_wait3A_250 = arith.constant 0 : i32
      %dma_wait3A_251 = tpu.memref_slice %arg3[%add3A_72, %dma_wait3A_249, %dma_wait3A_250] : memref<192x256x256xf32, #tpu.memory_space<hbm>> -> memref<1x128x256xf32, #tpu.memory_space<hbm>>
      %dma_wait3A_252 = tpu.memref_squeeze %dma_wait3A_251 : memref<1x128x256xf32, #tpu.memory_space<hbm>> -> memref<128x256xf32, #tpu.memory_space<hbm>>
      %dma_wait3A_253 = arith.constant 0 : i32
      %dma_wait3A_254 = arith.constant 0 : i32
      %dma_wait3A_255 = tpu.memref_slice %arg3[%add3A_72, %dma_wait3A_253, %dma_wait3A_254] : memref<192x256x256xf32, #tpu.memory_space<hbm>> -> memref<1x128x256xf32, #tpu.memory_space<hbm>>
      %dma_wait3A_256 = tpu.memref_squeeze %dma_wait3A_255 : memref<1x128x256xf32, #tpu.memory_space<hbm>> -> memref<128x256xf32, #tpu.memory_space<hbm>>
      tpu.wait_dma2 semaphore(%run_scoped3A : memref<!tpu.dma_semaphore, #tpu.memory_space<semaphore_mem>>) src(%arg6 : memref<128x256xf32, #tpu.memory_space<vmem>>) dst(%dma_wait3A_256 : memref<128x256xf32, #tpu.memory_space<hbm>>)
      tpu.yield
    }) : () -> ()
    %add3A_81 = arith.constant 2 : i32
    %add3A_82 = arith.addi %mul3A_2, %add3A_81 : i32
    %dma_start3A_83 = arith.constant 128 : i32
    %dma_start3A_84 = arith.constant 0 : i32
    %dma_start3A_85 = tpu.memref_slice %arg2[%add3A_82, %dma_start3A_83, %dma_start3A_84] : memref<192x256x256xf32, #tpu.memory_space<hbm>> -> memref<1x128x256xf32, #tpu.memory_space<hbm>>
    %dma_start3A_86 = tpu.memref_squeeze %dma_start3A_85 : memref<1x128x256xf32, #tpu.memory_space<hbm>> -> memref<128x256xf32, #tpu.memory_space<hbm>>
    %dma_start3A_87 = arith.constant 128 : i32
    %dma_start3A_88 = arith.constant 0 : i32
    %dma_start3A_89 = tpu.memref_slice %arg2[%add3A_82, %dma_start3A_87, %dma_start3A_88] : memref<192x256x256xf32, #tpu.memory_space<hbm>> -> memref<1x128x256xf32, #tpu.memory_space<hbm>>
    %dma_start3A_90 = tpu.memref_squeeze %dma_start3A_89 : memref<1x128x256xf32, #tpu.memory_space<hbm>> -> memref<128x256xf32, #tpu.memory_space<hbm>>
    tpu.enqueue_dma source(%dma_start3A_90 : memref<128x256xf32, #tpu.memory_space<hbm>>) target(%arg6 : memref<128x256xf32, #tpu.memory_space<vmem>>) target_semaphore(%arg9 : memref<!tpu.dma_semaphore, #tpu.memory_space<semaphore_mem>>)
    %add3A_91 = arith.constant 1 : i32
    %add3A_92 = arith.addi %mul3A_2, %add3A_91 : i32
    %dma_wait3A_93 = arith.constant 128 : i32
    %dma_wait3A_94 = arith.constant 0 : i32
    %dma_wait3A_95 = tpu.memref_slice %arg2[%add3A_42, %dma_wait3A_93, %dma_wait3A_94] : memref<192x256x256xf32, #tpu.memory_space<hbm>> -> memref<1x128x256xf32, #tpu.memory_space<hbm>>
    %dma_wait3A_96 = tpu.memref_squeeze %dma_wait3A_95 : memref<1x128x256xf32, #tpu.memory_space<hbm>> -> memref<128x256xf32, #tpu.memory_space<hbm>>
    %dma_wait3A_97 = arith.constant 128 : i32
    %dma_wait3A_98 = arith.constant 0 : i32
    %dma_wait3A_99 = tpu.memref_slice %arg2[%add3A_42, %dma_wait3A_97, %dma_wait3A_98] : memref<192x256x256xf32, #tpu.memory_space<hbm>> -> memref<1x128x256xf32, #tpu.memory_space<hbm>>
    %dma_wait3A_100 = tpu.memref_squeeze %dma_wait3A_99 : memref<1x128x256xf32, #tpu.memory_space<hbm>> -> memref<128x256xf32, #tpu.memory_space<hbm>>
    tpu.wait_dma2 semaphore(%arg7 : memref<!tpu.dma_semaphore, #tpu.memory_space<semaphore_mem>>) src(%dma_wait3A_100 : memref<128x256xf32, #tpu.memory_space<hbm>>) dst(%arg4 : memref<128x256xf32, #tpu.memory_space<vmem>>)
    "tpu.region"() ({
      %run_scoped3A = tpu.sem_alloc : memref<!tpu.dma_semaphore, #tpu.memory_space<semaphore_mem>>
      %dma_start3A_241 = arith.constant 128 : i32
      %dma_start3A_242 = arith.constant 0 : i32
      %dma_start3A_243 = tpu.memref_slice %arg3[%add3A_92, %dma_start3A_241, %dma_start3A_242] : memref<192x256x256xf32, #tpu.memory_space<hbm>> -> memref<1x128x256xf32, #tpu.memory_space<hbm>>
      %dma_start3A_244 = tpu.memref_squeeze %dma_start3A_243 : memref<1x128x256xf32, #tpu.memory_space<hbm>> -> memref<128x256xf32, #tpu.memory_space<hbm>>
      %dma_start3A_245 = arith.constant 128 : i32
      %dma_start3A_246 = arith.constant 0 : i32
      %dma_start3A_247 = tpu.memref_slice %arg3[%add3A_92, %dma_start3A_245, %dma_start3A_246] : memref<192x256x256xf32, #tpu.memory_space<hbm>> -> memref<1x128x256xf32, #tpu.memory_space<hbm>>
      %dma_start3A_248 = tpu.memref_squeeze %dma_start3A_247 : memref<1x128x256xf32, #tpu.memory_space<hbm>> -> memref<128x256xf32, #tpu.memory_space<hbm>>
      tpu.enqueue_dma source(%arg4 : memref<128x256xf32, #tpu.memory_space<vmem>>) target(%dma_start3A_248 : memref<128x256xf32, #tpu.memory_space<hbm>>) target_semaphore(%run_scoped3A : memref<!tpu.dma_semaphore, #tpu.memory_space<semaphore_mem>>)
      %dma_wait3A_249 = arith.constant 128 : i32
      %dma_wait3A_250 = arith.constant 0 : i32
      %dma_wait3A_251 = tpu.memref_slice %arg3[%add3A_92, %dma_wait3A_249, %dma_wait3A_250] : memref<192x256x256xf32, #tpu.memory_space<hbm>> -> memref<1x128x256xf32, #tpu.memory_space<hbm>>
      %dma_wait3A_252 = tpu.memref_squeeze %dma_wait3A_251 : memref<1x128x256xf32, #tpu.memory_space<hbm>> -> memref<128x256xf32, #tpu.memory_space<hbm>>
      %dma_wait3A_253 = arith.constant 128 : i32
      %dma_wait3A_254 = arith.constant 0 : i32
      %dma_wait3A_255 = tpu.memref_slice %arg3[%add3A_92, %dma_wait3A_253, %dma_wait3A_254] : memref<192x256x256xf32, #tpu.memory_space<hbm>> -> memref<1x128x256xf32, #tpu.memory_space<hbm>>
      %dma_wait3A_256 = tpu.memref_squeeze %dma_wait3A_255 : memref<1x128x256xf32, #tpu.memory_space<hbm>> -> memref<128x256xf32, #tpu.memory_space<hbm>>
      tpu.wait_dma2 semaphore(%run_scoped3A : memref<!tpu.dma_semaphore, #tpu.memory_space<semaphore_mem>>) src(%arg4 : memref<128x256xf32, #tpu.memory_space<vmem>>) dst(%dma_wait3A_256 : memref<128x256xf32, #tpu.memory_space<hbm>>)
      tpu.yield
    }) : () -> ()
    %add3A_101 = arith.constant 3 : i32
    %add3A_102 = arith.addi %mul3A_2, %add3A_101 : i32
    %dma_start3A_103 = arith.constant 0 : i32
    %dma_start3A_104 = arith.constant 0 : i32
    %dma_start3A_105 = tpu.memref_slice %arg2[%add3A_102, %dma_start3A_103, %dma_start3A_104] : memref<192x256x256xf32, #tpu.memory_space<hbm>> -> memref<1x128x256xf32, #tpu.memory_space<hbm>>
    %dma_start3A_106 = tpu.memref_squeeze %dma_start3A_105 : memref<1x128x256xf32, #tpu.memory_space<hbm>> -> memref<128x256xf32, #tpu.memory_space<hbm>>
    %dma_start3A_107 = arith.constant 0 : i32
    %dma_start3A_108 = arith.constant 0 : i32
    %dma_start3A_109 = tpu.memref_slice %arg2[%add3A_102, %dma_start3A_107, %dma_start3A_108] : memref<192x256x256xf32, #tpu.memory_space<hbm>> -> memref<1x128x256xf32, #tpu.memory_space<hbm>>
    %dma_start3A_110 = tpu.memref_squeeze %dma_start3A_109 : memref<1x128x256xf32, #tpu.memory_space<hbm>> -> memref<128x256xf32, #tpu.memory_space<hbm>>
    tpu.enqueue_dma source(%dma_start3A_110 : memref<128x256xf32, #tpu.memory_space<hbm>>) target(%arg4 : memref<128x256xf32, #tpu.memory_space<vmem>>) target_semaphore(%arg7 : memref<!tpu.dma_semaphore, #tpu.memory_space<semaphore_mem>>)
    %add3A_111 = arith.constant 2 : i32
    %add3A_112 = arith.addi %mul3A_2, %add3A_111 : i32
    %dma_wait3A_113 = arith.constant 0 : i32
    %dma_wait3A_114 = arith.constant 0 : i32
    %dma_wait3A_115 = tpu.memref_slice %arg2[%add3A_62, %dma_wait3A_113, %dma_wait3A_114] : memref<192x256x256xf32, #tpu.memory_space<hbm>> -> memref<1x128x256xf32, #tpu.memory_space<hbm>>
    %dma_wait3A_116 = tpu.memref_squeeze %dma_wait3A_115 : memref<1x128x256xf32, #tpu.memory_space<hbm>> -> memref<128x256xf32, #tpu.memory_space<hbm>>
    %dma_wait3A_117 = arith.constant 0 : i32
    %dma_wait3A_118 = arith.constant 0 : i32
    %dma_wait3A_119 = tpu.memref_slice %arg2[%add3A_62, %dma_wait3A_117, %dma_wait3A_118] : memref<192x256x256xf32, #tpu.memory_space<hbm>> -> memref<1x128x256xf32, #tpu.memory_space<hbm>>
    %dma_wait3A_120 = tpu.memref_squeeze %dma_wait3A_119 : memref<1x128x256xf32, #tpu.memory_space<hbm>> -> memref<128x256xf32, #tpu.memory_space<hbm>>
    tpu.wait_dma2 semaphore(%arg8 : memref<!tpu.dma_semaphore, #tpu.memory_space<semaphore_mem>>) src(%dma_wait3A_120 : memref<128x256xf32, #tpu.memory_space<hbm>>) dst(%arg5 : memref<128x256xf32, #tpu.memory_space<vmem>>)
    "tpu.region"() ({
      %run_scoped3A = tpu.sem_alloc : memref<!tpu.dma_semaphore, #tpu.memory_space<semaphore_mem>>
      %dma_start3A_241 = arith.constant 0 : i32
      %dma_start3A_242 = arith.constant 0 : i32
      %dma_start3A_243 = tpu.memref_slice %arg3[%add3A_112, %dma_start3A_241, %dma_start3A_242] : memref<192x256x256xf32, #tpu.memory_space<hbm>> -> memref<1x128x256xf32, #tpu.memory_space<hbm>>
      %dma_start3A_244 = tpu.memref_squeeze %dma_start3A_243 : memref<1x128x256xf32, #tpu.memory_space<hbm>> -> memref<128x256xf32, #tpu.memory_space<hbm>>
      %dma_start3A_245 = arith.constant 0 : i32
      %dma_start3A_246 = arith.constant 0 : i32
      %dma_start3A_247 = tpu.memref_slice %arg3[%add3A_112, %dma_start3A_245, %dma_start3A_246] : memref<192x256x256xf32, #tpu.memory_space<hbm>> -> memref<1x128x256xf32, #tpu.memory_space<hbm>>
      %dma_start3A_248 = tpu.memref_squeeze %dma_start3A_247 : memref<1x128x256xf32, #tpu.memory_space<hbm>> -> memref<128x256xf32, #tpu.memory_space<hbm>>
      tpu.enqueue_dma source(%arg5 : memref<128x256xf32, #tpu.memory_space<vmem>>) target(%dma_start3A_248 : memref<128x256xf32, #tpu.memory_space<hbm>>) target_semaphore(%run_scoped3A : memref<!tpu.dma_semaphore, #tpu.memory_space<semaphore_mem>>)
      %dma_wait3A_249 = arith.constant 0 : i32
      %dma_wait3A_250 = arith.constant 0 : i32
      %dma_wait3A_251 = tpu.memref_slice %arg3[%add3A_112, %dma_wait3A_249, %dma_wait3A_250] : memref<192x256x256xf32, #tpu.memory_space<hbm>> -> memref<1x128x256xf32, #tpu.memory_space<hbm>>
      %dma_wait3A_252 = tpu.memref_squeeze %dma_wait3A_251 : memref<1x128x256xf32, #tpu.memory_space<hbm>> -> memref<128x256xf32, #tpu.memory_space<hbm>>
      %dma_wait3A_253 = arith.constant 0 : i32
      %dma_wait3A_254 = arith.constant 0 : i32
      %dma_wait3A_255 = tpu.memref_slice %arg3[%add3A_112, %dma_wait3A_253, %dma_wait3A_254] : memref<192x256x256xf32, #tpu.memory_space<hbm>> -> memref<1x128x256xf32, #tpu.memory_space<hbm>>
      %dma_wait3A_256 = tpu.memref_squeeze %dma_wait3A_255 : memref<1x128x256xf32, #tpu.memory_space<hbm>> -> memref<128x256xf32, #tpu.memory_space<hbm>>
      tpu.wait_dma2 semaphore(%run_scoped3A : memref<!tpu.dma_semaphore, #tpu.memory_space<semaphore_mem>>) src(%arg5 : memref<128x256xf32, #tpu.memory_space<vmem>>) dst(%dma_wait3A_256 : memref<128x256xf32, #tpu.memory_space<hbm>>)
      tpu.yield
    }) : () -> ()
    %add3A_121 = arith.constant 3 : i32
    %add3A_122 = arith.addi %mul3A_2, %add3A_121 : i32
    %dma_start3A_123 = arith.constant 128 : i32
    %dma_start3A_124 = arith.constant 0 : i32
    %dma_start3A_125 = tpu.memref_slice %arg2[%add3A_122, %dma_start3A_123, %dma_start3A_124] : memref<192x256x256xf32, #tpu.memory_space<hbm>> -> memref<1x128x256xf32, #tpu.memory_space<hbm>>
    %dma_start3A_126 = tpu.memref_squeeze %dma_start3A_125 : memref<1x128x256xf32, #tpu.memory_space<hbm>> -> memref<128x256xf32, #tpu.memory_space<hbm>>
    %dma_start3A_127 = arith.constant 128 : i32
    %dma_start3A_128 = arith.constant 0 : i32
    %dma_start3A_129 = tpu.memref_slice %arg2[%add3A_122, %dma_start3A_127, %dma_start3A_128] : memref<192x256x256xf32, #tpu.memory_space<hbm>> -> memref<1x128x256xf32, #tpu.memory_space<hbm>>
    %dma_start3A_130 = tpu.memref_squeeze %dma_start3A_129 : memref<1x128x256xf32, #tpu.memory_space<hbm>> -> memref<128x256xf32, #tpu.memory_space<hbm>>
    tpu.enqueue_dma source(%dma_start3A_130 : memref<128x256xf32, #tpu.memory_space<hbm>>) target(%arg5 : memref<128x256xf32, #tpu.memory_space<vmem>>) target_semaphore(%arg8 : memref<!tpu.dma_semaphore, #tpu.memory_space<semaphore_mem>>)
    %add3A_131 = arith.constant 2 : i32
    %add3A_132 = arith.addi %mul3A_2, %add3A_131 : i32
    %dma_wait3A_133 = arith.constant 128 : i32
    %dma_wait3A_134 = arith.constant 0 : i32
    %dma_wait3A_135 = tpu.memref_slice %arg2[%add3A_82, %dma_wait3A_133, %dma_wait3A_134] : memref<192x256x256xf32, #tpu.memory_space<hbm>> -> memref<1x128x256xf32, #tpu.memory_space<hbm>>
    %dma_wait3A_136 = tpu.memref_squeeze %dma_wait3A_135 : memref<1x128x256xf32, #tpu.memory_space<hbm>> -> memref<128x256xf32, #tpu.memory_space<hbm>>
    %dma_wait3A_137 = arith.constant 128 : i32
    %dma_wait3A_138 = arith.constant 0 : i32
    %dma_wait3A_139 = tpu.memref_slice %arg2[%add3A_82, %dma_wait3A_137, %dma_wait3A_138] : memref<192x256x256xf32, #tpu.memory_space<hbm>> -> memref<1x128x256xf32, #tpu.memory_space<hbm>>
    %dma_wait3A_140 = tpu.memref_squeeze %dma_wait3A_139 : memref<1x128x256xf32, #tpu.memory_space<hbm>> -> memref<128x256xf32, #tpu.memory_space<hbm>>
    tpu.wait_dma2 semaphore(%arg9 : memref<!tpu.dma_semaphore, #tpu.memory_space<semaphore_mem>>) src(%dma_wait3A_140 : memref<128x256xf32, #tpu.memory_space<hbm>>) dst(%arg6 : memref<128x256xf32, #tpu.memory_space<vmem>>)
    "tpu.region"() ({
      %run_scoped3A = tpu.sem_alloc : memref<!tpu.dma_semaphore, #tpu.memory_space<semaphore_mem>>
      %dma_start3A_241 = arith.constant 128 : i32
      %dma_start3A_242 = arith.constant 0 : i32
      %dma_start3A_243 = tpu.memref_slice %arg3[%add3A_132, %dma_start3A_241, %dma_start3A_242] : memref<192x256x256xf32, #tpu.memory_space<hbm>> -> memref<1x128x256xf32, #tpu.memory_space<hbm>>
      %dma_start3A_244 = tpu.memref_squeeze %dma_start3A_243 : memref<1x128x256xf32, #tpu.memory_space<hbm>> -> memref<128x256xf32, #tpu.memory_space<hbm>>
      %dma_start3A_245 = arith.constant 128 : i32
      %dma_start3A_246 = arith.constant 0 : i32
      %dma_start3A_247 = tpu.memref_slice %arg3[%add3A_132, %dma_start3A_245, %dma_start3A_246] : memref<192x256x256xf32, #tpu.memory_space<hbm>> -> memref<1x128x256xf32, #tpu.memory_space<hbm>>
      %dma_start3A_248 = tpu.memref_squeeze %dma_start3A_247 : memref<1x128x256xf32, #tpu.memory_space<hbm>> -> memref<128x256xf32, #tpu.memory_space<hbm>>
      tpu.enqueue_dma source(%arg6 : memref<128x256xf32, #tpu.memory_space<vmem>>) target(%dma_start3A_248 : memref<128x256xf32, #tpu.memory_space<hbm>>) target_semaphore(%run_scoped3A : memref<!tpu.dma_semaphore, #tpu.memory_space<semaphore_mem>>)
      %dma_wait3A_249 = arith.constant 128 : i32
      %dma_wait3A_250 = arith.constant 0 : i32
      %dma_wait3A_251 = tpu.memref_slice %arg3[%add3A_132, %dma_wait3A_249, %dma_wait3A_250] : memref<192x256x256xf32, #tpu.memory_space<hbm>> -> memref<1x128x256xf32, #tpu.memory_space<hbm>>
      %dma_wait3A_252 = tpu.memref_squeeze %dma_wait3A_251 : memref<1x128x256xf32, #tpu.memory_space<hbm>> -> memref<128x256xf32, #tpu.memory_space<hbm>>
      %dma_wait3A_253 = arith.constant 128 : i32
      %dma_wait3A_254 = arith.constant 0 : i32
      %dma_wait3A_255 = tpu.memref_slice %arg3[%add3A_132, %dma_wait3A_253, %dma_wait3A_254] : memref<192x256x256xf32, #tpu.memory_space<hbm>> -> memref<1x128x256xf32, #tpu.memory_space<hbm>>
      %dma_wait3A_256 = tpu.memref_squeeze %dma_wait3A_255 : memref<1x128x256xf32, #tpu.memory_space<hbm>> -> memref<128x256xf32, #tpu.memory_space<hbm>>
      tpu.wait_dma2 semaphore(%run_scoped3A : memref<!tpu.dma_semaphore, #tpu.memory_space<semaphore_mem>>) src(%arg6 : memref<128x256xf32, #tpu.memory_space<vmem>>) dst(%dma_wait3A_256 : memref<128x256xf32, #tpu.memory_space<hbm>>)
      tpu.yield
    }) : () -> ()
    %add3A_141 = arith.constant 4 : i32
    %add3A_142 = arith.addi %mul3A_2, %add3A_141 : i32
    %dma_start3A_143 = arith.constant 0 : i32
    %dma_start3A_144 = arith.constant 0 : i32
    %dma_start3A_145 = tpu.memref_slice %arg2[%add3A_142, %dma_start3A_143, %dma_start3A_144] : memref<192x256x256xf32, #tpu.memory_space<hbm>> -> memref<1x128x256xf32, #tpu.memory_space<hbm>>
    %dma_start3A_146 = tpu.memref_squeeze %dma_start3A_145 : memref<1x128x256xf32, #tpu.memory_space<hbm>> -> memref<128x256xf32, #tpu.memory_space<hbm>>
    %dma_start3A_147 = arith.constant 0 : i32
    %dma_start3A_148 = arith.constant 0 : i32
    %dma_start3A_149 = tpu.memref_slice %arg2[%add3A_142, %dma_start3A_147, %dma_start3A_148] : memref<192x256x256xf32, #tpu.memory_space<hbm>> -> memref<1x128x256xf32, #tpu.memory_space<hbm>>
    %dma_start3A_150 = tpu.memref_squeeze %dma_start3A_149 : memref<1x128x256xf32, #tpu.memory_space<hbm>> -> memref<128x256xf32, #tpu.memory_space<hbm>>
    tpu.enqueue_dma source(%dma_start3A_150 : memref<128x256xf32, #tpu.memory_space<hbm>>) target(%arg6 : memref<128x256xf32, #tpu.memory_space<vmem>>) target_semaphore(%arg9 : memref<!tpu.dma_semaphore, #tpu.memory_space<semaphore_mem>>)
    %add3A_151 = arith.constant 3 : i32
    %add3A_152 = arith.addi %mul3A_2, %add3A_151 : i32
    %dma_wait3A_153 = arith.constant 0 : i32
    %dma_wait3A_154 = arith.constant 0 : i32
    %dma_wait3A_155 = tpu.memref_slice %arg2[%add3A_102, %dma_wait3A_153, %dma_wait3A_154] : memref<192x256x256xf32, #tpu.memory_space<hbm>> -> memref<1x128x256xf32, #tpu.memory_space<hbm>>
    %dma_wait3A_156 = tpu.memref_squeeze %dma_wait3A_155 : memref<1x128x256xf32, #tpu.memory_space<hbm>> -> memref<128x256xf32, #tpu.memory_space<hbm>>
    %dma_wait3A_157 = arith.constant 0 : i32
    %dma_wait3A_158 = arith.constant 0 : i32
    %dma_wait3A_159 = tpu.memref_slice %arg2[%add3A_102, %dma_wait3A_157, %dma_wait3A_158] : memref<192x256x256xf32, #tpu.memory_space<hbm>> -> memref<1x128x256xf32, #tpu.memory_space<hbm>>
    %dma_wait3A_160 = tpu.memref_squeeze %dma_wait3A_159 : memref<1x128x256xf32, #tpu.memory_space<hbm>> -> memref<128x256xf32, #tpu.memory_space<hbm>>
    tpu.wait_dma2 semaphore(%arg7 : memref<!tpu.dma_semaphore, #tpu.memory_space<semaphore_mem>>) src(%dma_wait3A_160 : memref<128x256xf32, #tpu.memory_space<hbm>>) dst(%arg4 : memref<128x256xf32, #tpu.memory_space<vmem>>)
    "tpu.region"() ({
      %run_scoped3A = tpu.sem_alloc : memref<!tpu.dma_semaphore, #tpu.memory_space<semaphore_mem>>
      %dma_start3A_241 = arith.constant 0 : i32
      %dma_start3A_242 = arith.constant 0 : i32
      %dma_start3A_243 = tpu.memref_slice %arg3[%add3A_152, %dma_start3A_241, %dma_start3A_242] : memref<192x256x256xf32, #tpu.memory_space<hbm>> -> memref<1x128x256xf32, #tpu.memory_space<hbm>>
      %dma_start3A_244 = tpu.memref_squeeze %dma_start3A_243 : memref<1x128x256xf32, #tpu.memory_space<hbm>> -> memref<128x256xf32, #tpu.memory_space<hbm>>
      %dma_start3A_245 = arith.constant 0 : i32
      %dma_start3A_246 = arith.constant 0 : i32
      %dma_start3A_247 = tpu.memref_slice %arg3[%add3A_152, %dma_start3A_245, %dma_start3A_246] : memref<192x256x256xf32, #tpu.memory_space<hbm>> -> memref<1x128x256xf32, #tpu.memory_space<hbm>>
      %dma_start3A_248 = tpu.memref_squeeze %dma_start3A_247 : memref<1x128x256xf32, #tpu.memory_space<hbm>> -> memref<128x256xf32, #tpu.memory_space<hbm>>
      tpu.enqueue_dma source(%arg4 : memref<128x256xf32, #tpu.memory_space<vmem>>) target(%dma_start3A_248 : memref<128x256xf32, #tpu.memory_space<hbm>>) target_semaphore(%run_scoped3A : memref<!tpu.dma_semaphore, #tpu.memory_space<semaphore_mem>>)
      %dma_wait3A_249 = arith.constant 0 : i32
      %dma_wait3A_250 = arith.constant 0 : i32
      %dma_wait3A_251 = tpu.memref_slice %arg3[%add3A_152, %dma_wait3A_249, %dma_wait3A_250] : memref<192x256x256xf32, #tpu.memory_space<hbm>> -> memref<1x128x256xf32, #tpu.memory_space<hbm>>
      %dma_wait3A_252 = tpu.memref_squeeze %dma_wait3A_251 : memref<1x128x256xf32, #tpu.memory_space<hbm>> -> memref<128x256xf32, #tpu.memory_space<hbm>>
      %dma_wait3A_253 = arith.constant 0 : i32
      %dma_wait3A_254 = arith.constant 0 : i32
      %dma_wait3A_255 = tpu.memref_slice %arg3[%add3A_152, %dma_wait3A_253, %dma_wait3A_254] : memref<192x256x256xf32, #tpu.memory_space<hbm>> -> memref<1x128x256xf32, #tpu.memory_space<hbm>>
      %dma_wait3A_256 = tpu.memref_squeeze %dma_wait3A_255 : memref<1x128x256xf32, #tpu.memory_space<hbm>> -> memref<128x256xf32, #tpu.memory_space<hbm>>
      tpu.wait_dma2 semaphore(%run_scoped3A : memref<!tpu.dma_semaphore, #tpu.memory_space<semaphore_mem>>) src(%arg4 : memref<128x256xf32, #tpu.memory_space<vmem>>) dst(%dma_wait3A_256 : memref<128x256xf32, #tpu.memory_space<hbm>>)
      tpu.yield
    }) : () -> ()
    %add3A_161 = arith.constant 4 : i32
    %add3A_162 = arith.addi %mul3A_2, %add3A_161 : i32
    %dma_start3A_163 = arith.constant 128 : i32
    %dma_start3A_164 = arith.constant 0 : i32
    %dma_start3A_165 = tpu.memref_slice %arg2[%add3A_162, %dma_start3A_163, %dma_start3A_164] : memref<192x256x256xf32, #tpu.memory_space<hbm>> -> memref<1x128x256xf32, #tpu.memory_space<hbm>>
    %dma_start3A_166 = tpu.memref_squeeze %dma_start3A_165 : memref<1x128x256xf32, #tpu.memory_space<hbm>> -> memref<128x256xf32, #tpu.memory_space<hbm>>
    %dma_start3A_167 = arith.constant 128 : i32
    %dma_start3A_168 = arith.constant 0 : i32
    %dma_start3A_169 = tpu.memref_slice %arg2[%add3A_162, %dma_start3A_167, %dma_start3A_168] : memref<192x256x256xf32, #tpu.memory_space<hbm>> -> memref<1x128x256xf32, #tpu.memory_space<hbm>>
    %dma_start3A_170 = tpu.memref_squeeze %dma_start3A_169 : memref<1x128x256xf32, #tpu.memory_space<hbm>> -> memref<128x256xf32, #tpu.memory_space<hbm>>
    tpu.enqueue_dma source(%dma_start3A_170 : memref<128x256xf32, #tpu.memory_space<hbm>>) target(%arg4 : memref<128x256xf32, #tpu.memory_space<vmem>>) target_semaphore(%arg7 : memref<!tpu.dma_semaphore, #tpu.memory_space<semaphore_mem>>)
    %add3A_171 = arith.constant 3 : i32
    %add3A_172 = arith.addi %mul3A_2, %add3A_171 : i32
    %dma_wait3A_173 = arith.constant 128 : i32
    %dma_wait3A_174 = arith.constant 0 : i32
    %dma_wait3A_175 = tpu.memref_slice %arg2[%add3A_122, %dma_wait3A_173, %dma_wait3A_174] : memref<192x256x256xf32, #tpu.memory_space<hbm>> -> memref<1x128x256xf32, #tpu.memory_space<hbm>>
    %dma_wait3A_176 = tpu.memref_squeeze %dma_wait3A_175 : memref<1x128x256xf32, #tpu.memory_space<hbm>> -> memref<128x256xf32, #tpu.memory_space<hbm>>
    %dma_wait3A_177 = arith.constant 128 : i32
    %dma_wait3A_178 = arith.constant 0 : i32
    %dma_wait3A_179 = tpu.memref_slice %arg2[%add3A_122, %dma_wait3A_177, %dma_wait3A_178] : memref<192x256x256xf32, #tpu.memory_space<hbm>> -> memref<1x128x256xf32, #tpu.memory_space<hbm>>
    %dma_wait3A_180 = tpu.memref_squeeze %dma_wait3A_179 : memref<1x128x256xf32, #tpu.memory_space<hbm>> -> memref<128x256xf32, #tpu.memory_space<hbm>>
    tpu.wait_dma2 semaphore(%arg8 : memref<!tpu.dma_semaphore, #tpu.memory_space<semaphore_mem>>) src(%dma_wait3A_180 : memref<128x256xf32, #tpu.memory_space<hbm>>) dst(%arg5 : memref<128x256xf32, #tpu.memory_space<vmem>>)
    "tpu.region"() ({
      %run_scoped3A = tpu.sem_alloc : memref<!tpu.dma_semaphore, #tpu.memory_space<semaphore_mem>>
      %dma_start3A_241 = arith.constant 128 : i32
      %dma_start3A_242 = arith.constant 0 : i32
      %dma_start3A_243 = tpu.memref_slice %arg3[%add3A_172, %dma_start3A_241, %dma_start3A_242] : memref<192x256x256xf32, #tpu.memory_space<hbm>> -> memref<1x128x256xf32, #tpu.memory_space<hbm>>
      %dma_start3A_244 = tpu.memref_squeeze %dma_start3A_243 : memref<1x128x256xf32, #tpu.memory_space<hbm>> -> memref<128x256xf32, #tpu.memory_space<hbm>>
      %dma_start3A_245 = arith.constant 128 : i32
      %dma_start3A_246 = arith.constant 0 : i32
      %dma_start3A_247 = tpu.memref_slice %arg3[%add3A_172, %dma_start3A_245, %dma_start3A_246] : memref<192x256x256xf32, #tpu.memory_space<hbm>> -> memref<1x128x256xf32, #tpu.memory_space<hbm>>
      %dma_start3A_248 = tpu.memref_squeeze %dma_start3A_247 : memref<1x128x256xf32, #tpu.memory_space<hbm>> -> memref<128x256xf32, #tpu.memory_space<hbm>>
      tpu.enqueue_dma source(%arg5 : memref<128x256xf32, #tpu.memory_space<vmem>>) target(%dma_start3A_248 : memref<128x256xf32, #tpu.memory_space<hbm>>) target_semaphore(%run_scoped3A : memref<!tpu.dma_semaphore, #tpu.memory_space<semaphore_mem>>)
      %dma_wait3A_249 = arith.constant 128 : i32
      %dma_wait3A_250 = arith.constant 0 : i32
      %dma_wait3A_251 = tpu.memref_slice %arg3[%add3A_172, %dma_wait3A_249, %dma_wait3A_250] : memref<192x256x256xf32, #tpu.memory_space<hbm>> -> memref<1x128x256xf32, #tpu.memory_space<hbm>>
      %dma_wait3A_252 = tpu.memref_squeeze %dma_wait3A_251 : memref<1x128x256xf32, #tpu.memory_space<hbm>> -> memref<128x256xf32, #tpu.memory_space<hbm>>
      %dma_wait3A_253 = arith.constant 128 : i32
      %dma_wait3A_254 = arith.constant 0 : i32
      %dma_wait3A_255 = tpu.memref_slice %arg3[%add3A_172, %dma_wait3A_253, %dma_wait3A_254] : memref<192x256x256xf32, #tpu.memory_space<hbm>> -> memref<1x128x256xf32, #tpu.memory_space<hbm>>
      %dma_wait3A_256 = tpu.memref_squeeze %dma_wait3A_255 : memref<1x128x256xf32, #tpu.memory_space<hbm>> -> memref<128x256xf32, #tpu.memory_space<hbm>>
      tpu.wait_dma2 semaphore(%run_scoped3A : memref<!tpu.dma_semaphore, #tpu.memory_space<semaphore_mem>>) src(%arg5 : memref<128x256xf32, #tpu.memory_space<vmem>>) dst(%dma_wait3A_256 : memref<128x256xf32, #tpu.memory_space<hbm>>)
      tpu.yield
    }) : () -> ()
    %add3A_181 = arith.constant 5 : i32
    %add3A_182 = arith.addi %mul3A_2, %add3A_181 : i32
    %dma_start3A_183 = arith.constant 0 : i32
    %dma_start3A_184 = arith.constant 0 : i32
    %dma_start3A_185 = tpu.memref_slice %arg2[%add3A_182, %dma_start3A_183, %dma_start3A_184] : memref<192x256x256xf32, #tpu.memory_space<hbm>> -> memref<1x128x256xf32, #tpu.memory_space<hbm>>
    %dma_start3A_186 = tpu.memref_squeeze %dma_start3A_185 : memref<1x128x256xf32, #tpu.memory_space<hbm>> -> memref<128x256xf32, #tpu.memory_space<hbm>>
    %dma_start3A_187 = arith.constant 0 : i32
    %dma_start3A_188 = arith.constant 0 : i32
    %dma_start3A_189 = tpu.memref_slice %arg2[%add3A_182, %dma_start3A_187, %dma_start3A_188] : memref<192x256x256xf32, #tpu.memory_space<hbm>> -> memref<1x128x256xf32, #tpu.memory_space<hbm>>
    %dma_start3A_190 = tpu.memref_squeeze %dma_start3A_189 : memref<1x128x256xf32, #tpu.memory_space<hbm>> -> memref<128x256xf32, #tpu.memory_space<hbm>>
    tpu.enqueue_dma source(%dma_start3A_190 : memref<128x256xf32, #tpu.memory_space<hbm>>) target(%arg5 : memref<128x256xf32, #tpu.memory_space<vmem>>) target_semaphore(%arg8 : memref<!tpu.dma_semaphore, #tpu.memory_space<semaphore_mem>>)
    %add3A_191 = arith.constant 4 : i32
    %add3A_192 = arith.addi %mul3A_2, %add3A_191 : i32
    %dma_wait3A_193 = arith.constant 0 : i32
    %dma_wait3A_194 = arith.constant 0 : i32
    %dma_wait3A_195 = tpu.memref_slice %arg2[%add3A_142, %dma_wait3A_193, %dma_wait3A_194] : memref<192x256x256xf32, #tpu.memory_space<hbm>> -> memref<1x128x256xf32, #tpu.memory_space<hbm>>
    %dma_wait3A_196 = tpu.memref_squeeze %dma_wait3A_195 : memref<1x128x256xf32, #tpu.memory_space<hbm>> -> memref<128x256xf32, #tpu.memory_space<hbm>>
    %dma_wait3A_197 = arith.constant 0 : i32
    %dma_wait3A_198 = arith.constant 0 : i32
    %dma_wait3A_199 = tpu.memref_slice %arg2[%add3A_142, %dma_wait3A_197, %dma_wait3A_198] : memref<192x256x256xf32, #tpu.memory_space<hbm>> -> memref<1x128x256xf32, #tpu.memory_space<hbm>>
    %dma_wait3A_200 = tpu.memref_squeeze %dma_wait3A_199 : memref<1x128x256xf32, #tpu.memory_space<hbm>> -> memref<128x256xf32, #tpu.memory_space<hbm>>
    tpu.wait_dma2 semaphore(%arg9 : memref<!tpu.dma_semaphore, #tpu.memory_space<semaphore_mem>>) src(%dma_wait3A_200 : memref<128x256xf32, #tpu.memory_space<hbm>>) dst(%arg6 : memref<128x256xf32, #tpu.memory_space<vmem>>)
    "tpu.region"() ({
      %run_scoped3A = tpu.sem_alloc : memref<!tpu.dma_semaphore, #tpu.memory_space<semaphore_mem>>
      %dma_start3A_241 = arith.constant 0 : i32
      %dma_start3A_242 = arith.constant 0 : i32
      %dma_start3A_243 = tpu.memref_slice %arg3[%add3A_192, %dma_start3A_241, %dma_start3A_242] : memref<192x256x256xf32, #tpu.memory_space<hbm>> -> memref<1x128x256xf32, #tpu.memory_space<hbm>>
      %dma_start3A_244 = tpu.memref_squeeze %dma_start3A_243 : memref<1x128x256xf32, #tpu.memory_space<hbm>> -> memref<128x256xf32, #tpu.memory_space<hbm>>
      %dma_start3A_245 = arith.constant 0 : i32
      %dma_start3A_246 = arith.constant 0 : i32
      %dma_start3A_247 = tpu.memref_slice %arg3[%add3A_192, %dma_start3A_245, %dma_start3A_246] : memref<192x256x256xf32, #tpu.memory_space<hbm>> -> memref<1x128x256xf32, #tpu.memory_space<hbm>>
      %dma_start3A_248 = tpu.memref_squeeze %dma_start3A_247 : memref<1x128x256xf32, #tpu.memory_space<hbm>> -> memref<128x256xf32, #tpu.memory_space<hbm>>
      tpu.enqueue_dma source(%arg6 : memref<128x256xf32, #tpu.memory_space<vmem>>) target(%dma_start3A_248 : memref<128x256xf32, #tpu.memory_space<hbm>>) target_semaphore(%run_scoped3A : memref<!tpu.dma_semaphore, #tpu.memory_space<semaphore_mem>>)
      %dma_wait3A_249 = arith.constant 0 : i32
      %dma_wait3A_250 = arith.constant 0 : i32
      %dma_wait3A_251 = tpu.memref_slice %arg3[%add3A_192, %dma_wait3A_249, %dma_wait3A_250] : memref<192x256x256xf32, #tpu.memory_space<hbm>> -> memref<1x128x256xf32, #tpu.memory_space<hbm>>
      %dma_wait3A_252 = tpu.memref_squeeze %dma_wait3A_251 : memref<1x128x256xf32, #tpu.memory_space<hbm>> -> memref<128x256xf32, #tpu.memory_space<hbm>>
      %dma_wait3A_253 = arith.constant 0 : i32
      %dma_wait3A_254 = arith.constant 0 : i32
      %dma_wait3A_255 = tpu.memref_slice %arg3[%add3A_192, %dma_wait3A_253, %dma_wait3A_254] : memref<192x256x256xf32, #tpu.memory_space<hbm>> -> memref<1x128x256xf32, #tpu.memory_space<hbm>>
      %dma_wait3A_256 = tpu.memref_squeeze %dma_wait3A_255 : memref<1x128x256xf32, #tpu.memory_space<hbm>> -> memref<128x256xf32, #tpu.memory_space<hbm>>
      tpu.wait_dma2 semaphore(%run_scoped3A : memref<!tpu.dma_semaphore, #tpu.memory_space<semaphore_mem>>) src(%arg6 : memref<128x256xf32, #tpu.memory_space<vmem>>) dst(%dma_wait3A_256 : memref<128x256xf32, #tpu.memory_space<hbm>>)
      tpu.yield
    }) : () -> ()
    %add3A_201 = arith.constant 5 : i32
    %add3A_202 = arith.addi %mul3A_2, %add3A_201 : i32
    %dma_start3A_203 = arith.constant 128 : i32
    %dma_start3A_204 = arith.constant 0 : i32
    %dma_start3A_205 = tpu.memref_slice %arg2[%add3A_202, %dma_start3A_203, %dma_start3A_204] : memref<192x256x256xf32, #tpu.memory_space<hbm>> -> memref<1x128x256xf32, #tpu.memory_space<hbm>>
    %dma_start3A_206 = tpu.memref_squeeze %dma_start3A_205 : memref<1x128x256xf32, #tpu.memory_space<hbm>> -> memref<128x256xf32, #tpu.memory_space<hbm>>
    %dma_start3A_207 = arith.constant 128 : i32
    %dma_start3A_208 = arith.constant 0 : i32
    %dma_start3A_209 = tpu.memref_slice %arg2[%add3A_202, %dma_start3A_207, %dma_start3A_208] : memref<192x256x256xf32, #tpu.memory_space<hbm>> -> memref<1x128x256xf32, #tpu.memory_space<hbm>>
    %dma_start3A_210 = tpu.memref_squeeze %dma_start3A_209 : memref<1x128x256xf32, #tpu.memory_space<hbm>> -> memref<128x256xf32, #tpu.memory_space<hbm>>
    tpu.enqueue_dma source(%dma_start3A_210 : memref<128x256xf32, #tpu.memory_space<hbm>>) target(%arg6 : memref<128x256xf32, #tpu.memory_space<vmem>>) target_semaphore(%arg9 : memref<!tpu.dma_semaphore, #tpu.memory_space<semaphore_mem>>)
    %add3A_211 = arith.constant 4 : i32
    %add3A_212 = arith.addi %mul3A_2, %add3A_211 : i32
    %dma_wait3A_213 = arith.constant 128 : i32
    %dma_wait3A_214 = arith.constant 0 : i32
    %dma_wait3A_215 = tpu.memref_slice %arg2[%add3A_162, %dma_wait3A_213, %dma_wait3A_214] : memref<192x256x256xf32, #tpu.memory_space<hbm>> -> memref<1x128x256xf32, #tpu.memory_space<hbm>>
    %dma_wait3A_216 = tpu.memref_squeeze %dma_wait3A_215 : memref<1x128x256xf32, #tpu.memory_space<hbm>> -> memref<128x256xf32, #tpu.memory_space<hbm>>
    %dma_wait3A_217 = arith.constant 128 : i32
    %dma_wait3A_218 = arith.constant 0 : i32
    %dma_wait3A_219 = tpu.memref_slice %arg2[%add3A_162, %dma_wait3A_217, %dma_wait3A_218] : memref<192x256x256xf32, #tpu.memory_space<hbm>> -> memref<1x128x256xf32, #tpu.memory_space<hbm>>
    %dma_wait3A_220 = tpu.memref_squeeze %dma_wait3A_219 : memref<1x128x256xf32, #tpu.memory_space<hbm>> -> memref<128x256xf32, #tpu.memory_space<hbm>>
    tpu.wait_dma2 semaphore(%arg7 : memref<!tpu.dma_semaphore, #tpu.memory_space<semaphore_mem>>) src(%dma_wait3A_220 : memref<128x256xf32, #tpu.memory_space<hbm>>) dst(%arg4 : memref<128x256xf32, #tpu.memory_space<vmem>>)
    "tpu.region"() ({
      %run_scoped3A = tpu.sem_alloc : memref<!tpu.dma_semaphore, #tpu.memory_space<semaphore_mem>>
      %dma_start3A_241 = arith.constant 128 : i32
      %dma_start3A_242 = arith.constant 0 : i32
      %dma_start3A_243 = tpu.memref_slice %arg3[%add3A_212, %dma_start3A_241, %dma_start3A_242] : memref<192x256x256xf32, #tpu.memory_space<hbm>> -> memref<1x128x256xf32, #tpu.memory_space<hbm>>
      %dma_start3A_244 = tpu.memref_squeeze %dma_start3A_243 : memref<1x128x256xf32, #tpu.memory_space<hbm>> -> memref<128x256xf32, #tpu.memory_space<hbm>>
      %dma_start3A_245 = arith.constant 128 : i32
      %dma_start3A_246 = arith.constant 0 : i32
      %dma_start3A_247 = tpu.memref_slice %arg3[%add3A_212, %dma_start3A_245, %dma_start3A_246] : memref<192x256x256xf32, #tpu.memory_space<hbm>> -> memref<1x128x256xf32, #tpu.memory_space<hbm>>
      %dma_start3A_248 = tpu.memref_squeeze %dma_start3A_247 : memref<1x128x256xf32, #tpu.memory_space<hbm>> -> memref<128x256xf32, #tpu.memory_space<hbm>>
      tpu.enqueue_dma source(%arg4 : memref<128x256xf32, #tpu.memory_space<vmem>>) target(%dma_start3A_248 : memref<128x256xf32, #tpu.memory_space<hbm>>) target_semaphore(%run_scoped3A : memref<!tpu.dma_semaphore, #tpu.memory_space<semaphore_mem>>)
      %dma_wait3A_249 = arith.constant 128 : i32
      %dma_wait3A_250 = arith.constant 0 : i32
      %dma_wait3A_251 = tpu.memref_slice %arg3[%add3A_212, %dma_wait3A_249, %dma_wait3A_250] : memref<192x256x256xf32, #tpu.memory_space<hbm>> -> memref<1x128x256xf32, #tpu.memory_space<hbm>>
      %dma_wait3A_252 = tpu.memref_squeeze %dma_wait3A_251 : memref<1x128x256xf32, #tpu.memory_space<hbm>> -> memref<128x256xf32, #tpu.memory_space<hbm>>
      %dma_wait3A_253 = arith.constant 128 : i32
      %dma_wait3A_254 = arith.constant 0 : i32
      %dma_wait3A_255 = tpu.memref_slice %arg3[%add3A_212, %dma_wait3A_253, %dma_wait3A_254] : memref<192x256x256xf32, #tpu.memory_space<hbm>> -> memref<1x128x256xf32, #tpu.memory_space<hbm>>
      %dma_wait3A_256 = tpu.memref_squeeze %dma_wait3A_255 : memref<1x128x256xf32, #tpu.memory_space<hbm>> -> memref<128x256xf32, #tpu.memory_space<hbm>>
      tpu.wait_dma2 semaphore(%run_scoped3A : memref<!tpu.dma_semaphore, #tpu.memory_space<semaphore_mem>>) src(%arg4 : memref<128x256xf32, #tpu.memory_space<vmem>>) dst(%dma_wait3A_256 : memref<128x256xf32, #tpu.memory_space<hbm>>)
      tpu.yield
    }) : () -> ()
    %add3A_221 = arith.constant 5 : i32
    %add3A_222 = arith.addi %mul3A_2, %add3A_221 : i32
    %dma_wait3A_223 = arith.constant 0 : i32
    %dma_wait3A_224 = arith.constant 0 : i32
    %dma_wait3A_225 = tpu.memref_slice %arg2[%add3A_182, %dma_wait3A_223, %dma_wait3A_224] : memref<192x256x256xf32, #tpu.memory_space<hbm>> -> memref<1x128x256xf32, #tpu.memory_space<hbm>>
    %dma_wait3A_226 = tpu.memref_squeeze %dma_wait3A_225 : memref<1x128x256xf32, #tpu.memory_space<hbm>> -> memref<128x256xf32, #tpu.memory_space<hbm>>
    %dma_wait3A_227 = arith.constant 0 : i32
    %dma_wait3A_228 = arith.constant 0 : i32
    %dma_wait3A_229 = tpu.memref_slice %arg2[%add3A_182, %dma_wait3A_227, %dma_wait3A_228] : memref<192x256x256xf32, #tpu.memory_space<hbm>> -> memref<1x128x256xf32, #tpu.memory_space<hbm>>
    %dma_wait3A_230 = tpu.memref_squeeze %dma_wait3A_229 : memref<1x128x256xf32, #tpu.memory_space<hbm>> -> memref<128x256xf32, #tpu.memory_space<hbm>>
    tpu.wait_dma2 semaphore(%arg8 : memref<!tpu.dma_semaphore, #tpu.memory_space<semaphore_mem>>) src(%dma_wait3A_230 : memref<128x256xf32, #tpu.memory_space<hbm>>) dst(%arg5 : memref<128x256xf32, #tpu.memory_space<vmem>>)
    "tpu.region"() ({
      %run_scoped3A = tpu.sem_alloc : memref<!tpu.dma_semaphore, #tpu.memory_space<semaphore_mem>>
      %dma_start3A_241 = arith.constant 0 : i32
      %dma_start3A_242 = arith.constant 0 : i32
      %dma_start3A_243 = tpu.memref_slice %arg3[%add3A_222, %dma_start3A_241, %dma_start3A_242] : memref<192x256x256xf32, #tpu.memory_space<hbm>> -> memref<1x128x256xf32, #tpu.memory_space<hbm>>
      %dma_start3A_244 = tpu.memref_squeeze %dma_start3A_243 : memref<1x128x256xf32, #tpu.memory_space<hbm>> -> memref<128x256xf32, #tpu.memory_space<hbm>>
      %dma_start3A_245 = arith.constant 0 : i32
      %dma_start3A_246 = arith.constant 0 : i32
      %dma_start3A_247 = tpu.memref_slice %arg3[%add3A_222, %dma_start3A_245, %dma_start3A_246] : memref<192x256x256xf32, #tpu.memory_space<hbm>> -> memref<1x128x256xf32, #tpu.memory_space<hbm>>
      %dma_start3A_248 = tpu.memref_squeeze %dma_start3A_247 : memref<1x128x256xf32, #tpu.memory_space<hbm>> -> memref<128x256xf32, #tpu.memory_space<hbm>>
      tpu.enqueue_dma source(%arg5 : memref<128x256xf32, #tpu.memory_space<vmem>>) target(%dma_start3A_248 : memref<128x256xf32, #tpu.memory_space<hbm>>) target_semaphore(%run_scoped3A : memref<!tpu.dma_semaphore, #tpu.memory_space<semaphore_mem>>)
      %dma_wait3A_249 = arith.constant 0 : i32
      %dma_wait3A_250 = arith.constant 0 : i32
      %dma_wait3A_251 = tpu.memref_slice %arg3[%add3A_222, %dma_wait3A_249, %dma_wait3A_250] : memref<192x256x256xf32, #tpu.memory_space<hbm>> -> memref<1x128x256xf32, #tpu.memory_space<hbm>>
      %dma_wait3A_252 = tpu.memref_squeeze %dma_wait3A_251 : memref<1x128x256xf32, #tpu.memory_space<hbm>> -> memref<128x256xf32, #tpu.memory_space<hbm>>
      %dma_wait3A_253 = arith.constant 0 : i32
      %dma_wait3A_254 = arith.constant 0 : i32
      %dma_wait3A_255 = tpu.memref_slice %arg3[%add3A_222, %dma_wait3A_253, %dma_wait3A_254] : memref<192x256x256xf32, #tpu.memory_space<hbm>> -> memref<1x128x256xf32, #tpu.memory_space<hbm>>
      %dma_wait3A_256 = tpu.memref_squeeze %dma_wait3A_255 : memref<1x128x256xf32, #tpu.memory_space<hbm>> -> memref<128x256xf32, #tpu.memory_space<hbm>>
      tpu.wait_dma2 semaphore(%run_scoped3A : memref<!tpu.dma_semaphore, #tpu.memory_space<semaphore_mem>>) src(%arg5 : memref<128x256xf32, #tpu.memory_space<vmem>>) dst(%dma_wait3A_256 : memref<128x256xf32, #tpu.memory_space<hbm>>)
      tpu.yield
    }) : () -> ()
    %add3A_231 = arith.constant 5 : i32
    %add3A_232 = arith.addi %mul3A_2, %add3A_231 : i32
    %dma_wait3A_233 = arith.constant 128 : i32
    %dma_wait3A_234 = arith.constant 0 : i32
    %dma_wait3A_235 = tpu.memref_slice %arg2[%add3A_202, %dma_wait3A_233, %dma_wait3A_234] : memref<192x256x256xf32, #tpu.memory_space<hbm>> -> memref<1x128x256xf32, #tpu.memory_space<hbm>>
    %dma_wait3A_236 = tpu.memref_squeeze %dma_wait3A_235 : memref<1x128x256xf32, #tpu.memory_space<hbm>> -> memref<128x256xf32, #tpu.memory_space<hbm>>
    %dma_wait3A_237 = arith.constant 128 : i32
    %dma_wait3A_238 = arith.constant 0 : i32
    %dma_wait3A_239 = tpu.memref_slice %arg2[%add3A_202, %dma_wait3A_237, %dma_wait3A_238] : memref<192x256x256xf32, #tpu.memory_space<hbm>> -> memref<1x128x256xf32, #tpu.memory_space<hbm>>
    %dma_wait3A_240 = tpu.memref_squeeze %dma_wait3A_239 : memref<1x128x256xf32, #tpu.memory_space<hbm>> -> memref<128x256xf32, #tpu.memory_space<hbm>>
    tpu.wait_dma2 semaphore(%arg9 : memref<!tpu.dma_semaphore, #tpu.memory_space<semaphore_mem>>) src(%dma_wait3A_240 : memref<128x256xf32, #tpu.memory_space<hbm>>) dst(%arg6 : memref<128x256xf32, #tpu.memory_space<vmem>>)
    "tpu.region"() ({
      %run_scoped3A = tpu.sem_alloc : memref<!tpu.dma_semaphore, #tpu.memory_space<semaphore_mem>>
      %dma_start3A_241 = arith.constant 128 : i32
      %dma_start3A_242 = arith.constant 0 : i32
      %dma_start3A_243 = tpu.memref_slice %arg3[%add3A_232, %dma_start3A_241, %dma_start3A_242] : memref<192x256x256xf32, #tpu.memory_space<hbm>> -> memref<1x128x256xf32, #tpu.memory_space<hbm>>
      %dma_start3A_244 = tpu.memref_squeeze %dma_start3A_243 : memref<1x128x256xf32, #tpu.memory_space<hbm>> -> memref<128x256xf32, #tpu.memory_space<hbm>>
      %dma_start3A_245 = arith.constant 128 : i32
      %dma_start3A_246 = arith.constant 0 : i32
      %dma_start3A_247 = tpu.memref_slice %arg3[%add3A_232, %dma_start3A_245, %dma_start3A_246] : memref<192x256x256xf32, #tpu.memory_space<hbm>> -> memref<1x128x256xf32, #tpu.memory_space<hbm>>
      %dma_start3A_248 = tpu.memref_squeeze %dma_start3A_247 : memref<1x128x256xf32, #tpu.memory_space<hbm>> -> memref<128x256xf32, #tpu.memory_space<hbm>>
      tpu.enqueue_dma source(%arg6 : memref<128x256xf32, #tpu.memory_space<vmem>>) target(%dma_start3A_248 : memref<128x256xf32, #tpu.memory_space<hbm>>) target_semaphore(%run_scoped3A : memref<!tpu.dma_semaphore, #tpu.memory_space<semaphore_mem>>)
      %dma_wait3A_249 = arith.constant 128 : i32
      %dma_wait3A_250 = arith.constant 0 : i32
      %dma_wait3A_251 = tpu.memref_slice %arg3[%add3A_232, %dma_wait3A_249, %dma_wait3A_250] : memref<192x256x256xf32, #tpu.memory_space<hbm>> -> memref<1x128x256xf32, #tpu.memory_space<hbm>>
      %dma_wait3A_252 = tpu.memref_squeeze %dma_wait3A_251 : memref<1x128x256xf32, #tpu.memory_space<hbm>> -> memref<128x256xf32, #tpu.memory_space<hbm>>
      %dma_wait3A_253 = arith.constant 128 : i32
      %dma_wait3A_254 = arith.constant 0 : i32
      %dma_wait3A_255 = tpu.memref_slice %arg3[%add3A_232, %dma_wait3A_253, %dma_wait3A_254] : memref<192x256x256xf32, #tpu.memory_space<hbm>> -> memref<1x128x256xf32, #tpu.memory_space<hbm>>
      %dma_wait3A_256 = tpu.memref_squeeze %dma_wait3A_255 : memref<1x128x256xf32, #tpu.memory_space<hbm>> -> memref<128x256xf32, #tpu.memory_space<hbm>>
      tpu.wait_dma2 semaphore(%run_scoped3A : memref<!tpu.dma_semaphore, #tpu.memory_space<semaphore_mem>>) src(%arg6 : memref<128x256xf32, #tpu.memory_space<vmem>>) dst(%dma_wait3A_256 : memref<128x256xf32, #tpu.memory_space<hbm>>)
      tpu.yield
    }) : () -> ()
    return
  }
}

module attributes {stable_mosaic.version = 14 : i64} {
  func.func @body(%arg0: i32, %arg1: memref<3x1x256x256xf32, #tpu.memory_space<vmem>>, %arg2: memref<3x1x256x256xf32, #tpu.memory_space<vmem>>) attributes {dimension_semantics = [#tpu.dimension_semantics<arbitrary>], iteration_bounds = array<i64: 16>, scalar_prefetch = 0 : i64, scratch_operands = 0 : i64, tpu.core_type = #tpu.core_type<tc>, window_params = [{transform_indices = @transform_0, window_bounds = array<i64: 3, 1, 256, 256>}, {transform_indices = @transform_1, window_bounds = array<i64: 3, 1, 256, 256>}]} {
    %get3A = arith.constant 0 : index
    %get3A_0 = arith.constant 0 : index
    %get3A_1 = arith.constant 0 : index
    %get3A_2 = arith.constant 0 : index
    %get3A_3 = vector.load %arg1[%get3A, %get3A_0, %get3A_1, %get3A_2] : memref<3x1x256x256xf32, #tpu.memory_space<vmem>>, vector<3x1x256x256xf32>
    %swap3A = arith.constant 0 : index
    %swap3A_4 = arith.constant 0 : index
    %swap3A_5 = arith.constant 0 : index
    %swap3A_6 = arith.constant 0 : index
    %swap3A_7 = vector.load %arg2[%swap3A, %swap3A_4, %swap3A_5, %swap3A_6] : memref<3x1x256x256xf32, #tpu.memory_space<vmem>>, vector<3x1x256x256xf32>
    tpu.vector_store %arg2[%swap3A, %swap3A_4, %swap3A_5, %swap3A_6], %get3A_3 {strides = array<i32>} : memref<3x1x256x256xf32, #tpu.memory_space<vmem>>, vector<3x1x256x256xf32>,
    return
  }
  func.func @transform_0(%arg0: i32) -> (i32, i32, i32, i32) {
    %mul3A = arith.constant 63 : i32
    %mul3A_0 = arith.muli %arg0, %mul3A : i32
    %jit3A = arith.constant 15 : i32
    %div3A = arith.divsi %mul3A_0, %jit3A : i32
    %sign3A = arith.constant 0 : i32
    %sign3A_1 = arith.cmpi sgt, %mul3A_0, %sign3A : i32
    %sign3A_2 = arith.extui %sign3A_1 : i1 to i32
    %sign3A_3 = arith.constant 0 : i32
    %sign3A_4 = arith.cmpi slt, %mul3A_0, %sign3A_3 : i32
    %sign3A_5 = arith.extui %sign3A_4 : i1 to i32
    %sign3A_6 = arith.subi %sign3A_2, %sign3A_5 : i32
    %sign3A_7 = arith.constant 0 : i32
    %sign3A_8 = arith.cmpi sgt, %jit3A, %sign3A_7 : i32
    %sign3A_9 = arith.extui %sign3A_8 : i1 to i32
    %sign3A_10 = arith.constant 0 : i32
    %sign3A_11 = arith.cmpi slt, %jit3A, %sign3A_10 : i32
    %sign3A_12 = arith.extui %sign3A_11 : i1 to i32
    %sign3A_13 = arith.subi %sign3A_9, %sign3A_12 : i32
    %ne3A = arith.cmpi ne, %sign3A_6, %sign3A_13 : i32
    %rem3A = arith.remsi %mul3A_0, %jit3A : i32
    %ne3A_14 = arith.constant 0 : i32
    %ne3A_15 = arith.cmpi ne, %rem3A, %ne3A_14 : i32
    %and3A = arith.andi %ne3A, %ne3A_15 : i1
    %sub3A = arith.constant 1 : i32
    %sub3A_16 = arith.subi %div3A, %sub3A : i32
    %select_n3A = arith.select %and3A, %sub3A_16, %div3A : i32
    %c0_i32 = arith.constant 0 : i32
    %c0_i32_17 = arith.constant 0 : i32
    %c0_i32_18 = arith.constant 0 : i32
    %c0_i32_19 = arith.constant 0 : i32
    return %c0_i32, %select_n3A, %c0_i32_17, %c0_i32_18 : i32, i32, i32, i32
  }
  func.func @transform_1(%arg0: i32) -> (i32, i32, i32, i32) {
    %c0_i32 = arith.constant 0 : i32
    %c0_i32_0 = arith.constant 0 : i32
    %c0_i32_1 = arith.constant 0 : i32
    %c0_i32_2 = arith.constant 0 : i32
    return %c0_i32, %arg0, %c0_i32_0, %c0_i32_1 : i32, i32, i32, i32
  }
}

</mosaic_0001>

<sc_bundles>
// kernel: kernel.4.cloned.1.call-start
scs
__scs_entry_jumppad:
0x0: {  	(pc) =	sbr.rel $0x88, $3  }
0x1: {  	(tag) =	ssettag $0x0;
	lr =	simm.s32 $0x1  }
0x2: {  	[smem:$0x3FA0] =	sst lr;
	_ =	strace $0xD0000000  }
0x3: {  	_ = 	snop  }
0x4: {  	_ = 	snop  }
0x5: {  	_ = 	snop  }
0x6: {  	_ = 	snop  }
0x7: {  	_ = 	snop  }
__scs_overlays_trampoline_lowered:
0x8: {  	[smem:$0x3FAF] =	sst s0  }
0x9: {  	[smem:$0x3FB0] =	sst s1  }
0xa: {  	[smem:$0x3FB1] =	sst s2  }
0xb: {  	[smem:$0x3FB2] =	sst s3  }
0xc: {  	[smem:$0x3FB3] =	sst s4  }
0xd: {  	[smem:$0x3FB4] =	sst s5  }
0xe: {  	[smem:$0x3FB5] =	sst s6  }
0xf: {  	[smem:$0x3FB6] =	sst s7  }
0x10: {  	[smem:$0x3FB7] =	sst s8  }
0x11: {  	[smem:$0x3FB8] =	sst s9;
	s0 =	simm.s32 @!p0 $0x0  }
0x12: {  	s1 =	sld [smem:$0x3F9E];
	s0 =	simm.s32 @p0 $0x1  }
0x13: {  	[smem:$0x3FB9] =	sst s0;
	s0 =	simm.s32 @!p1 $0x0  }
0x14: {  	s2 =	sld [smem:$0x3F9D];
	s0 =	simm.s32 @p1 $0x1  }
0x15: {  	[smem:$0x3FBA] =	sst s0;
	s0 =	simm.s32 @!p2 $0x0  }
0x16: {  	s3 =	sld [smem:$0x3FDB];
	s0 =	simm.s32 @p2 $0x1  }
0x17: {  	s4 =	simm.s32 $0x1BF5;
	[smem:$0x3FBC] =	sst s0  }
0x18: {  	s0 =	sld [smem:$0x3F9F];
	_ =	swait.ge [sflag:s4], $0x0  }
0x19: {  	s7 =	sld [smem:$0x3FA0]  }
0x1a: {  	s8 =	sadd.s32 $0xFFFFE003, lr  }
0x1b: {  	s9 =	sadd.s32 $0xFFFFFEF7, lr;
	s5 =	simm.s32 $0xFFFFFFFF;
	p2 =	slt.u32 s8, $0xFFFFF086  }
0x1c: {  	p1 =	slt.u32 s9, $0xF7A;
	s5 =	simm.s32 @!p2 $0x0  }
0x1d: {  	s5 =	simm.s32 @p1 $0x1;
	p0 =	seq.s32 s7, s2  }
0x1e: {  	s7 =	smul.u32 @!p0 $0xF7A, s2;
	p2 =	seq.s32 @!p0 s5, $0x0  }
0x1f: {  	s9 =	smul.u32 $0xF7A, s1;
	s8 =	simm.s32 @!p0 $0x1BF5;
	p2 =	por !p2, p0  }
0x20: {  	[sflag:s8] =	ssyncset.s32 @!p0 $0xFFFFF086;
	s6 =	sadd.s32 @!p0 s3, s7;
	s7 =	simm.s32 @!p0 $0x108  }
0x21: {  	s3 =	sadd.s32 s3, s9;
	s6 =	sadd.s32 @!p0 $0x88, s6;
	s7 =	simm.s32 @p2 $0x1082  }
0x22: {  	[simem:s7], [sflag:s8] =	dma.local @!p0 [hbm:s6], $0xF7A  }
0x23: {  	s9 =	sor.u32 $0xD0000000, s2;
	s6 =	simm.s32 $0x108;
	_ =	swait.ge @!p0 [sflag:s8], $0x0  }
0x24: {  	s3 =	sadd.s32 $0x88, s3;
	s6 =	simm.s32 @!p1 $0x1082;
	[sflag:s4] =	ssyncset.s32 $0xFFFFF086  }
0x25: {  	[simem:s6], [sflag:s4] =	dma.local [hbm:s3], $0xF7A  }
0x26: {  	[smem:$0x3FA0] =	sst s1;
	(tag) =	ssettag s2;
	_ =	strace s9  }
0x27: {  	s1 =	sld [smem:$0x3FB0]  }
0x28: {  	s2 =	sld [smem:$0x3FB1]  }
0x29: {  	s4 =	sld [smem:$0x3FB3]  }
0x2a: {  	p0 =	seq.s32 s5, $0x0;
	s5 =	sld [smem:$0x3FB4]  }
0x2b: {  	s6 =	sld [smem:$0x3FB5]  }
0x2c: {  	s7 =	sld [smem:$0x3FB6]  }
0x2d: {  	s3 =	simm.s32 $0x108;
	s8 =	sld [smem:$0x3FB7]  }
0x2e: {  	s3 =	simm.s32 @!p0 $0x1082;
	s9 =	sld [smem:$0x3FB8]  }
0x2f: {  	lr =	sadd.s32 s0, s3;
	s0 =	sld [smem:$0x3FAF]  }
0x30: {  	s3 =	sld [smem:$0x3FB2]  }
0x31: {  	[smem:$0x3FBB] =	sst s10  }
0x32: {  	s10 =	sld [smem:$0x3FB9];
	_ =	sdelay $0x3  }
0x33: {  	p0 =	seq.s32 s10, $0x1;
	s10 =	sld [smem:$0x3FBB];
	_ =	sdelay $0x3  }
0x34: {  	[smem:$0x3FBB] =	sst s10  }
0x35: {  	s10 =	sld [smem:$0x3FBA];
	_ =	sdelay $0x3  }
0x36: {  	p1 =	seq.s32 s10, $0x1;
	s10 =	sld [smem:$0x3FBB];
	_ =	sdelay $0x3  }
0x37: {  	[smem:$0x3FBB] =	sst s10  }
0x38: {  	s10 =	sld [smem:$0x3FBC]  }
0x39: {  	_ = 	snop;
	(pc) =	sbr.ind lr, $3  }
0x3a: {  	_ = 	snop  }
0x3b: {  	_ = 	snop  }
0x3c: {  	p2 =	seq.s32 s10, $0x1;
	s10 =	sld [smem:$0x3FBB]  }
0x3d: {  	_ =	shalt  }
0x3e: {  	_ =	shalt  }
0x3f: {  	_ =	shalt  }
0x40: {  	_ =	shalt  }
0x41: {  	_ =	shalt  }
0x42: {  	_ =	shalt  }
0x43: {  	_ =	shalt  }
0x44: {  	_ =	shalt  }
0x45: {  	_ =	shalt  }
0x46: {  	_ =	shalt  }
0x47: {  	_ =	shalt  }
0x48: {  	_ =	shalt  }
0x49: {  	_ =	shalt  }
0x4a: {  	_ =	shalt  }
0x4b: {  	_ =	shalt  }
0x4c: {  	_ =	shalt  }
0x4d: {  	_ =	shalt  }
0x4e: {  	_ =	shalt  }
0x4f: {  	_ =	shalt  }
0x50: {  	_ =	shalt  }
0x51: {  	_ =	shalt  }
0x52: {  	_ =	shalt  }
0x53: {  	_ =	shalt  }
0x54: {  	_ =	shalt  }
0x55: {  	_ =	shalt  }
0x56: {  	_ =	shalt  }
0x57: {  	_ =	shalt  }
0x58: {  	_ =	shalt  }
0x59: {  	_ =	shalt  }
0x5a: {  	_ =	shalt  }
0x5b: {  	_ =	shalt  }
0x5c: {  	_ =	shalt  }
0x5d: {  	_ =	shalt  }
0x5e: {  	_ =	shalt  }
0x5f: {  	_ =	shalt  }
0x60: {  	_ =	shalt  }
0x61: {  	_ =	shalt  }
0x62: {  	_ =	shalt  }
0x63: {  	_ =	shalt  }
0x64: {  	_ =	shalt  }
0x65: {  	_ =	shalt  }
0x66: {  	_ =	shalt  }
0x67: {  	_ =	shalt  }
0x68: {  	_ =	shalt  }
0x69: {  	_ =	shalt  }
0x6a: {  	_ =	shalt  }
0x6b: {  	_ =	shalt  }
0x6c: {  	_ =	shalt  }
0x6d: {  	_ =	shalt  }
0x6e: {  	_ =	shalt  }
0x6f: {  	_ =	shalt  }
0x70: {  	_ =	shalt  }
0x71: {  	_ =	shalt  }
0x72: {  	_ =	shalt  }
0x73: {  	_ =	shalt  }
0x74: {  	_ =	shalt  }
0x75: {  	_ =	shalt  }
0x76: {  	_ =	shalt  }
0x77: {  	_ =	shalt  }
0x78: {  	_ =	shalt  }
0x79: {  	_ =	shalt  }
0x7a: {  	_ =	shalt  }
0x7b: {  	_ =	shalt  }
0x7c: {  	_ =	shalt  }
0x7d: {  	_ =	shalt  }
0x7e: {  	_ =	shalt  }
0x7f: {  	_ =	shalt  }
0x80: {  	_ =	shalt  }
0x81: {  	_ =	shalt  }
0x82: {  	_ =	shalt  }
0x83: {  	_ =	shalt  }
0x84: {  	_ =	shalt  }
0x85: {  	_ =	shalt  }
0x86: {  	_ =	shalt  }
0x87: {  	_ =	shalt  }
.Lfunc_end0:
.L_simem_size_0:
called_computation_lowered:
.L_overlay_start_0:
0x88: {  	s2 =	sld [smem:$0x3FD9]  }
0x89: {  	s3 =	sld [smem:$0x3FFE];
	_ =	sdelay $0x1  }
0x8a: {  	s1 =	srdreg.scid  }
0x8b: {  	s0 =	sand.u32 $0x1, s1  }
0x8c: {  	s15 =	sshll.u32 s0, $0xA;
	s2 =	sadd.s32 s3, s2  }
0x8d: {  	s2 =	sadd.s32 s2, s15  }
0x8e: {  	[smem:$0x3FC7] =	sst s2  }
0x8f: {  	_ = 	snop  }
0x90: {  	s2 =	sld [smem:$0x3FD0];
	_ =	sdelay $0x2  }
0x91: {  	s4 =	simm.s32 $0xA;
	s5 =	simm.s32 $0x10;
	s16 =	sld [smem:$0x3FC9]  }
0x92: {  	[smem:s5], [sflag:s4] =	dma.local [hbm:s2], $0x1  }
0x93: {  	_ =	swait.eq [sflag:s4], $0x1  }
0x94: {  	[sflag:s4] =	ssyncset.done $0x0  }
0x95: {  	[sflag:s4] =	ssyncadd.s32 $0xFFFFFFFF  }
0x96: {  	s17 =	sld [smem:$0x11];
	(tm) =	ssettm $0x1  }
0x97: {  	s18 =	sld [smem:$0x3FFB];
	_ =	sdelay $0x3  }
0x98: {  	_ =	strace s18  }
0x99: {  	s4 =	sld [smem:$0x3FFC];
	_ =	sdelay $0x3  }
0x9a: {  	_ =	strace s4  }
0x9b: {  	s4 =	sld [smem:$0x3FFD];
	_ =	sdelay $0x3  }
0x9c: {  	_ =	strace s4  }
0x9d: {  	_ =	strace $0x8FFFFFFF  }
0x9e: {  	s19 =	sld [smem:$0x3FDB];
	_ =	sdelay $0x1  }
0x9f: {  	s20 =	simm.s32 $_scs_section_size  }
0xa0: {  	s6 =	simm.s32 $_size__tile_overlayer_lowered;
	s7 =	simm.s32 $_tile_overlayer_lowered  }
0xa1: {  	s23 =	simm.s32 $0x1BFF;
	s22 =	sshll.u32 s7, $0x1;
	s4 =	sadd.s32 s20, s19  }
0xa2: {  	s8 =	simm.s32 $0x0;
	s21 =	sshll.u32 s6, $0x1;
	s6 =	sadd.s32 s22, s4  }
0xa3: {  	[timem:s8], [sflag:s23] =	dma.local [hbm:s6], s21  }
0xa4: {  	_ =	swait.ge [sflag:s23], s21  }
0xa5: {  	s5 =	ssub.s32 $0x0, s21;
	[sflag:s23] =	ssyncset.done $0x0  }
0xa6: {  	[sflag:s23] =	ssyncadd.s32 s5;
	_ =	sdelay $0x1  }
0xa7: {  	s24 =	simm.s32 $0x1B8B  }
0xa8: {  	_ =	swait.ge [sflag:s24], $0x1  }
0xa9: {  	[sflag:s24] =	ssyncset.done $0x0  }
0xaa: {  	s25 =	simm.s32 $0x1B8E;
	[sflag:s24] =	ssyncadd.s32 $0xFFFFFFFF  }
0xab: {  	s26 =	simm.s32 $execute0_lowered;
	[smem:$0x3FD2] =	sst s25  }
0xac: {  	s5 =	sshll.u32 s26, $0x1;
	_ =	strace $0x80000046;
	[dreg:$0x1] =	wrdreg $0xFFFFFFFF  }
0xad: {  	s28 =	simm.s32 $_size_execute0_lowered;
	s4 =	sadd.s32 s4, s5;
	[dreg:$0x0] =	wrdreg $0x0  }
0xae: {  	s5 =	sshll.u32 s28, $0x1;
	[dreg:$0x2] =	wrdreg s4  }
0xaf: {  	[dreg:$0x3] =	wrdreg s5  }
0xb0: {  	[dreg:$0x4] =	wrdreg $0xC0  }
0xb1: {  	_ =	task [dreg:s8], $0x5FFFF  }
0xb2: {  	[dreg:$0x1] =	wrdreg $0xFFFFFFFF  }
0xb3: {  	[dreg:$0x0] =	wrdreg $0x60  }
0xb4: {  	[dreg:$0x2] =	wrdreg s16  }
0xb5: {  	[dreg:$0x3] =	wrdreg s17  }
0xb6: {  	[dreg:$0x4] =	wrdreg $0x9  }
0xb7: {  	_ =	task.clear_ibuf [dreg:s8], $0x5FFFF;
	_ =	strace $0x90000046  }
0xb8: {  	s29 =	simm.s32 $0x9;
	_ =	strace $0x80000048  }
0xb9: {  	_ =	swait.ge [sflag:s29], $0x1  }
0xba: {  	[sflag:s29] =	ssyncadd.s32 $0xFFFFFFFF  }
0xbb: {  	_ =	strace $0x90000048  }
0xbc: {  	_ =	sfence  }
0xbd: {  	s30 =	sld [smem:$0x0];
	_ =	sdelay $0x2  }
0xbe: {  	s31 =	sshll.u32 s1, $0xD;
	s1 =	sshrl.u32 s1, $0x2  }
0xbf: {  	s3 =	sand.u32 $0x4000, s31;
	s1 =	sadd.s32 s1, s30  }
0xc0: {  	s0 =	sor.u32 s3, s0;
	s1 =	sshll.u32 s1, $0x11  }
0xc1: {  	s0 =	sor.u32 s1, s0  }
0xc2: {  	s0 =	sadd.s32 $0x8F2B, s0  }
0xc3: {  	[sflag:s0] =	ssyncadd.remote.s32 $0x1  }
0xc4: {  	_ =	sfence.sel $0xFFFF  }
0xc5: {  	[dreg:$0x0] =	wrdreg $0xFFFFFFFF;
	(pc) =	sbr.abs _section_cstart, $3  }
0xc6: {  	[dreg:$0x1] =	wrdreg $0xFFFFFFFF  }
0xc7: {  	_ =	task.clear_ibuf [dreg:s8], $0x2FFFF;
	_ =	strace $0x9FFFFFFF  }
0xc8: {  	(tm) =	ssettm $0x7FFFFFFF  }
0xc9: {  	_ =	shalt  }
tec
execute0_lowered:
.L_overlay_start_1:
0x0: {  	(tag) =	ssettag $0x1  }
0x1: {  	s1 =	srdreg.scid;
	s0 =	stileid.u32  }
0x2: {  	s31 =	sand.u32 $0x1, s1;
	s24 =	sshll.u32 s0, $0x1  }
0x3: {  	s2 =	sor.u32 s31, s24  }
0x4: {  	s3 =	smul.u32 $0x60000, s2  }
0x5: {  	s28 =	rddreg [dreg:$0x0]  }
0x6: {  	s1 =	rddreg [dreg:$0x1];
	s2 =	simm.s32 $0x0;
	s29 =	sshrl.u32 s3, $0x3  }
0x7: {  	[smem:$0x7FF] =	sst s2;
	s3 =	sadd.s32 s28, s29  }
0x8: {  	_ =	strace $0x80000047;
	s11 =	sor.u32 $0x1000, s29;
	[dreg:$0x3] =	wrdreg s3  }
0x9: {  	s25 =	sadd.s32 s28, s11;
	s4 =	rddreg [dreg:$0x3]  }
0xa: {  	s14 =	sor.u32 $0x2000, s29;
	[dreg:$0x4] =	wrdreg s25  }
0xb: {  	[tilespmem:s2], [sflag:$0x1] =	stream.linear.gather [hbm4b:s4+s2], $0x8000, $0x38;
	[tilespmem:$0x18000] =	vst v63  }
0xc: {  	s3 =	simm.s32 $0x8000;
	s26 =	sadd.s32 s28, s14;
	s5 =	rddreg [dreg:$0x4]  }
0xd: {  	[tilespmem:s3], [sflag:$0x2] =	stream.linear.gather [hbm4b:s5+s2], $0x8000, $0x38;
	[tilespmem:$0x18000] =	vst v63  }
0xe: {  	s6 =	simm.s32 $0x1;
	[dreg:$0x5] =	wrdreg s26;
	s5 =	simm.s32 $0x10000  }
0xf: {  	[tilespmem:s5], [sflag:$0x3] =	stream.linear.gather [hbm4b:s26+s2], $0x8000, $0x38;
	[tilespmem:$0x18000] =	vst v63  }
0x10: {  	_ =	swait.ge [sflag:s6], $0x8000  }
0x11: {  	[sflag:s6] =	ssyncset.done $0x0  }
0x12: {  	s7 =	simm.s32 $0x4;
	s8 =	sadd.s32 s1, s29;
	[sflag:s6] =	ssyncadd.s32 $0xFFFF8000  }
0x13: {  	[hbm4b:s8+s2] =	stream.linear.scatter [tilespmem:s2], [sflag:$0x4], $0x8000, $0x38;
	[tilespmem:$0x18000] =	vst v63  }
0x14: {  	_ =	swait.ge [sflag:s7], $0x8000  }
0x15: {  	s16 =	sor.u32 $0x3000, s29;
	[sflag:s7] =	ssyncset.done $0x0  }
0x16: {  	s10 =	simm.s32 $0x2;
	s9 =	sadd.s32 s28, s16;
	[sflag:s7] =	ssyncadd.s32 $0xFFFF8000  }
0x17: {  	[tilespmem:s2], [sflag:$0x1] =	stream.linear.gather [hbm4b:s9+s2], $0x8000, $0x38;
	[tilespmem:$0x18000] =	vst v63  }
0x18: {  	_ =	swait.ge [sflag:s10], $0x8000  }
0x19: {  	[sflag:s10] =	ssyncset.done $0x0  }
0x1a: {  	s11 =	sadd.s32 s1, s11;
	[sflag:s10] =	ssyncadd.s32 $0xFFFF8000  }
0x1b: {  	[hbm4b:s11+s2] =	stream.linear.scatter [tilespmem:s3], [sflag:$0x4], $0x8000, $0x38;
	[tilespmem:$0x18000] =	vst v63  }
0x1c: {  	_ =	swait.ge [sflag:s7], $0x8000  }
0x1d: {  	s18 =	sadd.s32 $0x4000, s29;
	[sflag:s7] =	ssyncset.done $0x0  }
0x1e: {  	s13 =	simm.s32 $0x3;
	s12 =	sadd.s32 s28, s18;
	[sflag:s7] =	ssyncadd.s32 $0xFFFF8000  }
0x1f: {  	[tilespmem:s3], [sflag:$0x2] =	stream.linear.gather [hbm4b:s12+s2], $0x8000, $0x38;
	[tilespmem:$0x18000] =	vst v63  }
0x20: {  	_ =	swait.ge [sflag:s13], $0x8000  }
0x21: {  	[sflag:s13] =	ssyncset.done $0x0  }
0x22: {  	s14 =	sadd.s32 s1, s14;
	[sflag:s13] =	ssyncadd.s32 $0xFFFF8000  }
0x23: {  	[hbm4b:s14+s2] =	stream.linear.scatter [tilespmem:s5], [sflag:$0x4], $0x8000, $0x38;
	[tilespmem:$0x18000] =	vst v63  }
0x24: {  	_ =	swait.ge [sflag:s7], $0x8000  }
0x25: {  	s20 =	sadd.s32 $0x5000, s29;
	[sflag:s7] =	ssyncset.done $0x0  }
0x26: {  	s15 =	sadd.s32 s28, s20;
	[sflag:s7] =	ssyncadd.s32 $0xFFFF8000  }
0x27: {  	[tilespmem:s5], [sflag:$0x3] =	stream.linear.gather [hbm4b:s15+s2], $0x8000, $0x38;
	[tilespmem:$0x18000] =	vst v63  }
0x28: {  	_ =	swait.ge [sflag:s6], $0x8000  }
0x29: {  	[sflag:s6] =	ssyncset.done $0x0  }
0x2a: {  	s16 =	sadd.s32 s1, s16;
	[sflag:s6] =	ssyncadd.s32 $0xFFFF8000  }
0x2b: {  	[hbm4b:s16+s2] =	stream.linear.scatter [tilespmem:s2], [sflag:$0x4], $0x8000, $0x38;
	[tilespmem:$0x18000] =	vst v63  }
0x2c: {  	_ =	swait.ge [sflag:s7], $0x8000  }
0x2d: {  	s22 =	sadd.s32 $0x6000, s29;
	[sflag:s7] =	ssyncset.done $0x0  }
0x2e: {  	s17 =	sadd.s32 s28, s22;
	[sflag:s7] =	ssyncadd.s32 $0xFFFF8000  }
0x2f: {  	[tilespmem:s2], [sflag:$0x1] =	stream.linear.gather [hbm4b:s17+s2], $0x8000, $0x38;
	[tilespmem:$0x18000] =	vst v63  }
0x30: {  	_ =	swait.ge [sflag:s10], $0x8000  }
0x31: {  	[sflag:s10] =	ssyncset.done $0x0  }
0x32: {  	s18 =	sadd.s32 s1, s18;
	[sflag:s10] =	ssyncadd.s32 $0xFFFF8000  }
0x33: {  	[hbm4b:s18+s2] =	stream.linear.scatter [tilespmem:s3], [sflag:$0x4], $0x8000, $0x38;
	[tilespmem:$0x18000] =	vst v63  }
0x34: {  	_ =	swait.ge [sflag:s7], $0x8000  }
0x35: {  	s24 =	sadd.s32 $0x7000, s29;
	[sflag:s7] =	ssyncset.done $0x0  }
0x36: {  	s19 =	sadd.s32 s28, s24;
	[sflag:s7] =	ssyncadd.s32 $0xFFFF8000  }
0x37: {  	[tilespmem:s3], [sflag:$0x2] =	stream.linear.gather [hbm4b:s19+s2], $0x8000, $0x38;
	[tilespmem:$0x18000] =	vst v63  }
0x38: {  	_ =	swait.ge [sflag:s13], $0x8000  }
0x39: {  	[sflag:s13] =	ssyncset.done $0x0  }
0x3a: {  	s20 =	sadd.s32 s1, s20;
	[sflag:s13] =	ssyncadd.s32 $0xFFFF8000  }
0x3b: {  	[hbm4b:s20+s2] =	stream.linear.scatter [tilespmem:s5], [sflag:$0x4], $0x8000, $0x38;
	[tilespmem:$0x18000] =	vst v63  }
0x3c: {  	_ =	swait.ge [sflag:s7], $0x8000  }
0x3d: {  	s26 =	sadd.s32 $0x8000, s29;
	[sflag:s7] =	ssyncset.done $0x0  }
0x3e: {  	s21 =	sadd.s32 s28, s26;
	[sflag:s7] =	ssyncadd.s32 $0xFFFF8000  }
0x3f: {  	[tilespmem:s5], [sflag:$0x3] =	stream.linear.gather [hbm4b:s21+s2], $0x8000, $0x38;
	[tilespmem:$0x18000] =	vst v63  }
0x40: {  	_ =	swait.ge [sflag:s6], $0x8000  }
0x41: {  	[sflag:s6] =	ssyncset.done $0x0  }
0x42: {  	s22 =	sadd.s32 s1, s22;
	[sflag:s6] =	ssyncadd.s32 $0xFFFF8000  }
0x43: {  	[hbm4b:s22+s2] =	stream.linear.scatter [tilespmem:s2], [sflag:$0x4], $0x8000, $0x38;
	[tilespmem:$0x18000] =	vst v63  }
0x44: {  	_ =	swait.ge [sflag:s7], $0x8000  }
0x45: {  	s30 =	sadd.s32 $0x9000, s29;
	[sflag:s7] =	ssyncset.done $0x0  }
0x46: {  	s23 =	sadd.s32 s28, s30;
	[sflag:s7] =	ssyncadd.s32 $0xFFFF8000  }
0x47: {  	[tilespmem:s2], [sflag:$0x1] =	stream.linear.gather [hbm4b:s23+s2], $0x8000, $0x38;
	[tilespmem:$0x18000] =	vst v63  }
0x48: {  	_ =	swait.ge [sflag:s10], $0x8000  }
0x49: {  	[sflag:s10] =	ssyncset.done $0x0  }
0x4a: {  	s24 =	sadd.s32 s1, s24;
	[sflag:s10] =	ssyncadd.s32 $0xFFFF8000  }
0x4b: {  	[hbm4b:s24+s2] =	stream.linear.scatter [tilespmem:s3], [sflag:$0x4], $0x8000, $0x38;
	[tilespmem:$0x18000] =	vst v63  }
0x4c: {  	_ =	swait.ge [sflag:s7], $0x8000  }
0x4d: {  	s0 =	sadd.s32 $0xA000, s29;
	[sflag:s7] =	ssyncset.done $0x0  }
0x4e: {  	s25 =	sadd.s32 s28, s0;
	[sflag:s7] =	ssyncadd.s32 $0xFFFF8000  }
0x4f: {  	[tilespmem:s3], [sflag:$0x2] =	stream.linear.gather [hbm4b:s25+s2], $0x8000, $0x38;
	[tilespmem:$0x18000] =	vst v63  }
0x50: {  	_ =	swait.ge [sflag:s13], $0x8000  }
0x51: {  	[sflag:s13] =	ssyncset.done $0x0  }
0x52: {  	s26 =	sadd.s32 s1, s26;
	[sflag:s13] =	ssyncadd.s32 $0xFFFF8000  }
0x53: {  	[hbm4b:s26+s2] =	stream.linear.scatter [tilespmem:s5], [sflag:$0x4], $0x8000, $0x38;
	[tilespmem:$0x18000] =	vst v63  }
0x54: {  	_ =	swait.ge [sflag:s7], $0x8000  }
0x55: {  	s4 =	smov.u32 s1;
	s1 =	sadd.s32 $0xB000, s29;
	[sflag:s7] =	ssyncset.done $0x0  }
0x56: {  	s28 =	sadd.s32 s28, s1;
	[sflag:s7] =	ssyncadd.s32 $0xFFFF8000  }
0x57: {  	[tilespmem:s5], [sflag:$0x3] =	stream.linear.gather [hbm4b:s28+s2], $0x8000, $0x38;
	[tilespmem:$0x18000] =	vst v63  }
0x58: {  	_ =	swait.ge [sflag:s6], $0x8000  }
0x59: {  	[sflag:s6] =	ssyncset.done $0x0  }
0x5a: {  	s29 =	sadd.s32 s4, s30;
	[sflag:s6] =	ssyncadd.s32 $0xFFFF8000  }
0x5b: {  	[hbm4b:s29+s2] =	stream.linear.scatter [tilespmem:s2], [sflag:$0x4], $0x8000, $0x38;
	[tilespmem:$0x18000] =	vst v63  }
0x5c: {  	_ =	swait.ge [sflag:s7], $0x8000  }
0x5d: {  	[sflag:s7] =	ssyncset.done $0x0  }
0x5e: {  	[sflag:s7] =	ssyncadd.s32 $0xFFFF8000  }
0x5f: {  	_ =	swait.ge [sflag:s10], $0x8000  }
0x60: {  	s30 =	sadd.s32 s4, s0;
	s0 =	ssub.s32 $0x2, s31;
	[sflag:s10] =	ssyncset.done $0x0  }
0x61: {  	s31 =	sshrl.u32 s0, $0x1;
	[sflag:s10] =	ssyncadd.s32 $0xFFFF8000  }
0x62: {  	[hbm4b:s30+s2] =	stream.linear.scatter [tilespmem:s3], [sflag:$0x4], $0x8000, $0x38;
	[tilespmem:$0x18000] =	vst v63  }
0x63: {  	s0 =	ssub.s32 s0, s31;
	_ =	swait.ge [sflag:s7], $0x8000  }
0x64: {  	s0 =	smax.u32 s0, $0x1;
	[sflag:s7] =	ssyncset.done $0x0  }
0x65: {  	p0 =	sne.s32 s0, $0x1;
	[sflag:s7] =	ssyncadd.s32 $0xFFFF8000  }
.Ltmp0:
0x66: {  	_ =	swait.ge [sflag:s13], $0x8000;
	(pc) =	sbr.rel @!p0 .LBB2_2-.Ltmp0, $4  }
0x67: {  	[sflag:s13] =	ssyncset.done $0x0  }
0x68: {  	s31 =	sadd.s32 s4, s1;
	[sflag:s13] =	ssyncadd.s32 $0xFFFF8000  }
0x69: {  	[hbm4b:s31+s2] =	stream.linear.scatter [tilespmem:s5], [sflag:$0x4], $0x8000, $0x38;
	[tilespmem:$0x18000] =	vst v63  }
0x6a: {  	s1 =	sadd.s32 $0xFFFFFFFF, s0;
	_ =	swait.ge [sflag:s7], $0x8000  }
.LBB2_1:
0x6b: {  	[sflag:s7] =	ssyncset.done $0x0  }
0x6c: {  	s0 =	rddreg [dreg:$0x3];
	[sflag:s7] =	ssyncadd.s32 $0xFFFF8000  }
0x6d: {  	[tilespmem:s2], [sflag:$0x1] =	stream.linear.gather [hbm4b:s0+s2], $0x8000, $0x38;
	[tilespmem:$0x18000] =	vst v63  }
0x6e: {  	s4 =	rddreg [dreg:$0x4]  }
0x6f: {  	[tilespmem:s3], [sflag:$0x2] =	stream.linear.gather [hbm4b:s4+s2], $0x8000, $0x38;
	[tilespmem:$0x18000] =	vst v63  }
0x70: {  	s4 =	rddreg [dreg:$0x5]  }
0x71: {  	[tilespmem:s5], [sflag:$0x3] =	stream.linear.gather [hbm4b:s4+s2], $0x8000, $0x38;
	[tilespmem:$0x18000] =	vst v63  }
0x72: {  	_ =	swait.ge [sflag:s6], $0x8000  }
0x73: {  	[sflag:s6] =	ssyncset.done $0x0  }
0x74: {  	[sflag:s6] =	ssyncadd.s32 $0xFFFF8000  }
0x75: {  	[hbm4b:s8+s2] =	stream.linear.scatter [tilespmem:s2], [sflag:$0x4], $0x8000, $0x38;
	[tilespmem:$0x18000] =	vst v63  }
0x76: {  	_ =	swait.ge [sflag:s7], $0x8000  }
0x77: {  	[sflag:s7] =	ssyncset.done $0x0  }
0x78: {  	[sflag:s7] =	ssyncadd.s32 $0xFFFF8000  }
0x79: {  	[tilespmem:s2], [sflag:$0x1] =	stream.linear.gather [hbm4b:s9+s2], $0x8000, $0x38;
	[tilespmem:$0x18000] =	vst v63  }
0x7a: {  	_ =	swait.ge [sflag:s10], $0x8000  }
0x7b: {  	[sflag:s10] =	ssyncset.done $0x0  }
0x7c: {  	[sflag:s10] =	ssyncadd.s32 $0xFFFF8000  }
0x7d: {  	[hbm4b:s11+s2] =	stream.linear.scatter [tilespmem:s3], [sflag:$0x4], $0x8000, $0x38;
	[tilespmem:$0x18000] =	vst v63  }
0x7e: {  	_ =	swait.ge [sflag:s7], $0x8000  }
0x7f: {  	[sflag:s7] =	ssyncset.done $0x0  }
0x80: {  	[sflag:s7] =	ssyncadd.s32 $0xFFFF8000  }
0x81: {  	[tilespmem:s3], [sflag:$0x2] =	stream.linear.gather [hbm4b:s12+s2], $0x8000, $0x38;
	[tilespmem:$0x18000] =	vst v63  }
0x82: {  	_ =	swait.ge [sflag:s13], $0x8000  }
0x83: {  	[sflag:s13] =	ssyncset.done $0x0  }
0x84: {  	[sflag:s13] =	ssyncadd.s32 $0xFFFF8000  }
0x85: {  	[hbm4b:s14+s2] =	stream.linear.scatter [tilespmem:s5], [sflag:$0x4], $0x8000, $0x38;
	[tilespmem:$0x18000] =	vst v63  }
0x86: {  	_ =	swait.ge [sflag:s7], $0x8000  }
0x87: {  	[sflag:s7] =	ssyncset.done $0x0  }
0x88: {  	[sflag:s7] =	ssyncadd.s32 $0xFFFF8000  }
0x89: {  	[tilespmem:s5], [sflag:$0x3] =	stream.linear.gather [hbm4b:s15+s2], $0x8000, $0x38;
	[tilespmem:$0x18000] =	vst v63  }
0x8a: {  	_ =	swait.ge [sflag:s6], $0x8000  }
0x8b: {  	[sflag:s6] =	ssyncset.done $0x0  }
0x8c: {  	[sflag:s6] =	ssyncadd.s32 $0xFFFF8000  }
0x8d: {  	[hbm4b:s16+s2] =	stream.linear.scatter [tilespmem:s2], [sflag:$0x4], $0x8000, $0x38;
	[tilespmem:$0x18000] =	vst v63  }
0x8e: {  	_ =	swait.ge [sflag:s7], $0x8000  }
0x8f: {  	[sflag:s7] =	ssyncset.done $0x0  }
0x90: {  	[sflag:s7] =	ssyncadd.s32 $0xFFFF8000  }
0x91: {  	[tilespmem:s2], [sflag:$0x1] =	stream.linear.gather [hbm4b:s17+s2], $0x8000, $0x38;
	[tilespmem:$0x18000] =	vst v63  }
0x92: {  	_ =	swait.ge [sflag:s10], $0x8000  }
0x93: {  	[sflag:s10] =	ssyncset.done $0x0  }
0x94: {  	[sflag:s10] =	ssyncadd.s32 $0xFFFF8000  }
0x95: {  	[hbm4b:s18+s2] =	stream.linear.scatter [tilespmem:s3], [sflag:$0x4], $0x8000, $0x38;
	[tilespmem:$0x18000] =	vst v63  }
0x96: {  	_ =	swait.ge [sflag:s7], $0x8000  }
0x97: {  	[sflag:s7] =	ssyncset.done $0x0  }
0x98: {  	[sflag:s7] =	ssyncadd.s32 $0xFFFF8000  }
0x99: {  	[tilespmem:s3], [sflag:$0x2] =	stream.linear.gather [hbm4b:s19+s2], $0x8000, $0x38;
	[tilespmem:$0x18000] =	vst v63  }
0x9a: {  	_ =	swait.ge [sflag:s13], $0x8000  }
0x9b: {  	[sflag:s13] =	ssyncset.done $0x0  }
0x9c: {  	[sflag:s13] =	ssyncadd.s32 $0xFFFF8000  }
0x9d: {  	[hbm4b:s20+s2] =	stream.linear.scatter [tilespmem:s5], [sflag:$0x4], $0x8000, $0x38;
	[tilespmem:$0x18000] =	vst v63  }
0x9e: {  	_ =	swait.ge [sflag:s7], $0x8000  }
0x9f: {  	[sflag:s7] =	ssyncset.done $0x0  }
0xa0: {  	[sflag:s7] =	ssyncadd.s32 $0xFFFF8000  }
0xa1: {  	[tilespmem:s5], [sflag:$0x3] =	stream.linear.gather [hbm4b:s21+s2], $0x8000, $0x38;
	[tilespmem:$0x18000] =	vst v63  }
0xa2: {  	_ =	swait.ge [sflag:s6], $0x8000  }
0xa3: {  	[sflag:s6] =	ssyncset.done $0x0  }
0xa4: {  	[sflag:s6] =	ssyncadd.s32 $0xFFFF8000  }
0xa5: {  	[hbm4b:s22+s2] =	stream.linear.scatter [tilespmem:s2], [sflag:$0x4], $0x8000, $0x38;
	[tilespmem:$0x18000] =	vst v63  }
0xa6: {  	_ =	swait.ge [sflag:s7], $0x8000  }
0xa7: {  	[sflag:s7] =	ssyncset.done $0x0  }
0xa8: {  	[sflag:s7] =	ssyncadd.s32 $0xFFFF8000  }
0xa9: {  	[tilespmem:s2], [sflag:$0x1] =	stream.linear.gather [hbm4b:s23+s2], $0x8000, $0x38;
	[tilespmem:$0x18000] =	vst v63  }
0xaa: {  	_ =	swait.ge [sflag:s10], $0x8000  }
0xab: {  	[sflag:s10] =	ssyncset.done $0x0  }
0xac: {  	[sflag:s10] =	ssyncadd.s32 $0xFFFF8000  }
0xad: {  	[hbm4b:s24+s2] =	stream.linear.scatter [tilespmem:s3], [sflag:$0x4], $0x8000, $0x38;
	[tilespmem:$0x18000] =	vst v63  }
0xae: {  	_ =	swait.ge [sflag:s7], $0x8000  }
0xaf: {  	[sflag:s7] =	ssyncset.done $0x0  }
0xb0: {  	[sflag:s7] =	ssyncadd.s32 $0xFFFF8000  }
0xb1: {  	[tilespmem:s3], [sflag:$0x2] =	stream.linear.gather [hbm4b:s25+s2], $0x8000, $0x38;
	[tilespmem:$0x18000] =	vst v63  }
0xb2: {  	_ =	swait.ge [sflag:s13], $0x8000  }
0xb3: {  	[sflag:s13] =	ssyncset.done $0x0  }
0xb4: {  	[sflag:s13] =	ssyncadd.s32 $0xFFFF8000  }
0xb5: {  	[hbm4b:s26+s2] =	stream.linear.scatter [tilespmem:s5], [sflag:$0x4], $0x8000, $0x38;
	[tilespmem:$0x18000] =	vst v63  }
0xb6: {  	_ =	swait.ge [sflag:s7], $0x8000  }
0xb7: {  	[sflag:s7] =	ssyncset.done $0x0  }
0xb8: {  	[sflag:s7] =	ssyncadd.s32 $0xFFFF8000  }
0xb9: {  	[tilespmem:s5], [sflag:$0x3] =	stream.linear.gather [hbm4b:s28+s2], $0x8000, $0x38;
	[tilespmem:$0x18000] =	vst v63  }
0xba: {  	_ =	swait.ge [sflag:s6], $0x8000  }
0xbb: {  	[sflag:s6] =	ssyncset.done $0x0  }
0xbc: {  	[sflag:s6] =	ssyncadd.s32 $0xFFFF8000  }
0xbd: {  	[hbm4b:s29+s2] =	stream.linear.scatter [tilespmem:s2], [sflag:$0x4], $0x8000, $0x38;
	[tilespmem:$0x18000] =	vst v63  }
0xbe: {  	_ =	swait.ge [sflag:s7], $0x8000  }
0xbf: {  	[sflag:s7] =	ssyncset.done $0x0  }
0xc0: {  	[sflag:s7] =	ssyncadd.s32 $0xFFFF8000  }
0xc1: {  	_ =	swait.ge [sflag:s10], $0x8000  }
0xc2: {  	[sflag:s10] =	ssyncset.done $0x0  }
0xc3: {  	[sflag:s10] =	ssyncadd.s32 $0xFFFF8000  }
0xc4: {  	[hbm4b:s30+s2] =	stream.linear.scatter [tilespmem:s3], [sflag:$0x4], $0x8000, $0x38;
	[tilespmem:$0x18000] =	vst v63  }
0xc5: {  	_ =	swait.ge [sflag:s7], $0x8000  }
0xc6: {  	[sflag:s7] =	ssyncset.done $0x0  }
0xc7: {  	p0 =	sne.s32 s1, $0x1;
	[sflag:s7] =	ssyncadd.s32 $0xFFFF8000  }
.Ltmp1:
0xc8: {  	_ =	swait.ge [sflag:s13], $0x8000;
	(pc) =	sbr.rel @p0 .LBB2_1-.Ltmp1, $4  }
0xc9: {  	[sflag:s13] =	ssyncset.done $0x0  }
0xca: {  	[sflag:s13] =	ssyncadd.s32 $0xFFFF8000  }
0xcb: {  	[hbm4b:s31+s2] =	stream.linear.scatter [tilespmem:s5], [sflag:$0x4], $0x8000, $0x38;
	[tilespmem:$0x18000] =	vst v63  }
0xcc: {  	s1 =	sadd.s32 $0xFFFFFFFF, s1;
	_ =	swait.ge [sflag:s7], $0x8000  }
.LBB2_2:
0xcd: {  	[sflag:s7] =	ssyncset.done $0x0  }
0xce: {  	[sflag:s7] =	ssyncadd.s32 $0xFFFF8000  }
0xcf: {  	_ =	sfence.sel $0x180000  }
0xd0: {  	[bflag:$0x0] =	sbarrier.arrive $0xFFFF  }
0xd1: {  	_ =	strace $0x90000047  }
0xd2: {  	s0 =	stileid.u32;
	[bflag:$0x2] =	sbarrier.arrive $0xFFFF  }
0xd3: {  	p0 =	sne.s32 s0, $0x0;
	s0 =	rddreg [dreg:$0x2]  }
0xd4: {  	s0 =	sadd.s32 @!p0 $0x100000, s0  }
0xd5: {  	[sflag:s0] =	ssyncadd.tile.s32 @!p0 $0x1;
	_ =	shalt  }
.Lfunc_end2:
_tile_overlayer_lowered:
.L_overlay_start_2:
0xd6: {  	(tag) =	ssettag $0x2  }
0xd7: {  	s0 =	rddreg [dreg:$0x0];
	s2 =	stileid.u32  }
0xd8: {  	s1 =	rddreg [dreg:$0x1];
	p0 =	sne.s32 s2, $0x0  }
0xd9: {  	s3 =	rddreg [dreg:$0x2];
	[bflag:$0x3] =	sbarrier.arrive $0xFFFF;
	s2 =	simm.s32 @!p0 $0x1C04  }
0xda: {  	[timem:s3], [sflag:s2] =	dma.local @!p0 [hbm:s0], s1  }
0xdb: {  	s0 =	simm.s32 @!p0 $0x4  }
0xdc: {  	_ =	swait.ge @!p0 [sflag:s0], s1  }
0xdd: {  	s1 =	ssub.s32 @!p0 $0x0, s1;
	[sflag:s0] =	ssyncset.done @!p0 $0x0  }
0xde: {  	[sflag:s0] =	ssyncadd.s32 @!p0 s1  }
0xdf: {  	[bflag:$0x3] =	sbarrier.arrive $0xFFFF  }
0xe0: {  	_ =	shalt  }

</sc_bundles>
